<compile_context>
chip_gen: v7x
topology: tpu7x:2x2x1
jax: 0.10.2.dev20260603
libtpu: 0.0.44.dev20260713+nightly
codegen_flags: <defaults>
</compile_context>

<pallas_src>
import functools

import jax
import jax.numpy as jnp
from jax import lax
from jax.experimental import pallas as pl
from jax.experimental.pallas import tpu as pltpu
from jax.experimental.pallas import tpu_sc as plsc


def _sc_gather_tiled(table, idx_rowmajor, n_rowtiles, s2):
    V, D = table.shape
    RT = n_rowtiles
    per_rt = 8 * s2
    info = plsc.get_sparse_core_info()
    NC, NS = info.num_cores, info.num_subcores
    NW = NC * NS
    assert RT % NW == 0
    rt_per_w = RT // NW
    idx_per_w = rt_per_w * per_rt

    mesh = plsc.VectorSubcoreMesh(core_axis_name="c", subcore_axis_name="s")

    n_chunks = 4
    assert idx_per_w % n_chunks == 0
    ch = idx_per_w // n_chunks

    @functools.partial(
        pl.kernel,
        mesh=mesh,
        out_type=jax.ShapeDtypeStruct((RT * per_rt, D), table.dtype),
        scratch_types=[
            pltpu.VMEM((idx_per_w,), jnp.int32),
            pltpu.VMEM((idx_per_w,), jnp.int32),
            pltpu.VMEM((2, ch, D), table.dtype),
            pltpu.SemaphoreType.DMA((2,)),
            pltpu.SemaphoreType.DMA((2,)),
        ],
        compiler_params=pltpu.CompilerParams(
            use_tc_tiling_on_sc=False, needs_layout_passes=False
        ),
    )
    def k(table_hbm, idx_hbm, out_hbm, idx_rm, idx_v, rows_v, gsem, ssem):
        wid = lax.axis_index("s") * NC + lax.axis_index("c")
        base = wid * idx_per_w
        pltpu.sync_copy(idx_hbm.at[pl.ds(base, idx_per_w)], idx_rm)

        def perm_body(g, _):
            u = g * 16 + lax.iota(jnp.int32, 16)
            r = g // (per_rt // 16)
            v = u - r * per_rt
            cc = v >> 5
            s = (v >> 2) & 7
            j = v & 3
            src = r * per_rt + s * s2 + (cc << 2) + j
            idx_v[pl.ds(g * 16, 16)] = plsc.load_gather(idx_rm, [src])
            return 0

        lax.fori_loop(0, idx_per_w // 16, perm_body, 0)

        def start_gather(c):
            return pltpu.async_copy(
                table_hbm.at[idx_v.at[pl.ds(c * ch, ch)]],
                rows_v.at[c % 2],
                gsem.at[c % 2],
            )

        gathers = [start_gather(0)]
        scatters = [None, None]
        for c in range(n_chunks):
            gathers[c].wait()
            scatters[c % 2] = pltpu.async_copy(
                rows_v.at[c % 2],
                out_hbm.at[pl.ds(base + c * ch, ch)],
                ssem.at[c % 2],
            )
            if c + 1 < n_chunks:
                if scatters[(c + 1) % 2] is not None:
                    scatters[(c + 1) % 2].wait()
                gathers.append(start_gather(c + 1))
        for s in scatters:
            if s is not None:
                s.wait()

    return k(table, idx_rowmajor)


def _mlp13_body(nct, x_ref, w1_ref, b1_ref, w2_ref, b2_ref, o_ref):
    nb = o_ref.shape[0]
    x4 = x_ref[...].reshape(nb // 8, nct, 8, 128)
    acc = jnp.dot(
        x4[:, 0].reshape(nb, 128), w1_ref[0], preferred_element_type=jnp.float32
    )
    for c in range(1, nct):
        acc = acc + jnp.dot(
            x4[:, c].reshape(nb, 128), w1_ref[c],
            preferred_element_type=jnp.float32,
        )
    h = jnp.maximum(acc + b1_ref[...], 0.0)
    z = jnp.dot(h, w2_ref[...], preferred_element_type=jnp.float32) + b2_ref[...]
    z = z - jnp.max(z, axis=-1, keepdims=True)
    e = jnp.exp(z)
    o_ref[...] = e / jnp.sum(e, axis=-1, keepdims=True)


def _mlp13(xq, B, W1r, b1, W2, b2, block_b=512, interpret=False):
    nct, K, H = W1r.shape
    _, O = W2.shape
    nblk = B // block_b
    return pl.pallas_call(
        functools.partial(_mlp13_body, nct),
        grid=(nblk,),
        in_specs=[
            pl.BlockSpec((block_b * nct, 128), lambda i: (i, 0)),
            pl.BlockSpec((nct, K, H), lambda i: (0, 0, 0)),
            pl.BlockSpec((1, H), lambda i: (0, 0)),
            pl.BlockSpec((H, O), lambda i: (0, 0)),
            pl.BlockSpec((1, O), lambda i: (0, 0)),
        ],
        out_specs=pl.BlockSpec((block_b, O), lambda i: (i, 0)),
        out_shape=jax.ShapeDtypeStruct((B, O), jnp.float32),
        interpret=interpret,
    )(xq, W1r, b1.reshape(1, -1), W2, b2.reshape(1, -1))


def kernel(inputs, table, W1, b1, W2, b2):
    B, S = inputs.shape
    V, D = table.shape
    S2 = ((S + 3) // 4) * 4
    nct = (S2 * D) // 128
    ii = inputs.astype(jnp.int32)
    idx52 = jnp.concatenate([ii, ii[:, : S2 - S]], axis=1)
    xq = _sc_gather_tiled(table, idx52.reshape(-1), B // 8, S2)
    xq = xq.reshape(B * nct, 128)
    W1r = jnp.pad(W1, ((0, S2 * D - S * D), (0, 0))).reshape(nct, 128, -1)
    return _mlp13(xq, B, W1r, b1, W2, b2)

# --- scband reference (transcript-rebuilt; emitter-appended) ---
"""Pipeline reference for scband-job-model-62861141344586 (READ-ONLY COPY).

The authoritative reference and input builder live on the scoring server;
editing this copy changes nothing except your own understanding.
"""

import jax, jax.numpy as jnp
import numpy as np

def setup_inputs(seed: int = 0) -> dict:
    key = jax.random.key(seed)
    k1, k2, k3, k4, k5, k6 = jax.random.split(key, 6)
    inputs = jax.random.randint(k1, (4096, 50), 0, 2000, dtype=jnp.int64)
    table = jax.random.normal(k2, (2000, 32), dtype=jnp.float32) * 0.05
    W1 = jax.random.normal(k3, (50 * 32, 256), dtype=jnp.float32) * 0.02
    b1 = jnp.zeros((256,), dtype=jnp.float32)
    W2 = jax.random.normal(k4, (256, 10), dtype=jnp.float32) * 0.02
    b2 = jnp.zeros((10,), dtype=jnp.float32)
    return {"inputs": inputs, "table": table, "W1": W1, "b1": b1, "W2": W2, "b2": b2}

def reference(inputs, table, W1, b1, W2, b2):
    # Embedding lookup: [B, 50] -> [B, 50, 32]
    x = jnp.take(table, inputs, axis=0)
    # Dropout is identity at inference time in Keras
    # Flatten: [B, 50, 32] -> [B, 1600]
    x = x.reshape(x.shape[0], -1)
    # Dense1 with relu
    x = jax.nn.relu(x @ W1 + b1)
    # Dense2 with softmax
    x = jax.nn.softmax(x @ W2 + b2, axis=-1)
    return x

if __name__ == "__main__":
    import jax
    _d = setup_inputs()
    print(jax.jit(kernel)(*tuple(_d.values())))

</pallas_src>

<mosaic_0001>
#map = affine_map<(d0, d1) -> (0, 0)>
#map1 = affine_map<(d0, d1) -> (0)>
module attributes {stable_mosaic.version = 14 : i64} {
  func.func @k(%arg0: i32, %arg1: i32, %arg2: memref<2000x32xf32, #tpu.memory_space<hbm>>, %arg3: memref<212992xi32, #tpu.memory_space<hbm>>, %arg4: memref<212992x32xf32, #tpu.memory_space<hbm>>, %arg5: memref<6656xi32, #tpu.memory_space<vmem>>, %arg6: memref<6656xi32, #tpu.memory_space<vmem>>, %arg7: memref<2x1664x32xf32, #tpu.memory_space<vmem>>, %arg8: memref<2x!tpu.dma_semaphore, #tpu.memory_space<semaphore_mem>>, %arg9: memref<2x!tpu.dma_semaphore, #tpu.memory_space<semaphore_mem>>) attributes {dimension_semantics = [#tpu.dimension_semantics<core_parallel>, #tpu.dimension_semantics<subcore_parallel>], iteration_bounds = array<i64: 2, 16>, scalar_prefetch = 0 : i64, scratch_operands = 5 : i64, tpu.core_type = #tpu.core_type<sc_vector_subcore>, window_params = [{transform_indices = #map}, {transform_indices = #map1}, {transform_indices = #map}]} {
    %mul3A = arith.constant 2 : i32
    %mul3A_0 = arith.muli %arg1, %mul3A : i32
    %add3A = arith.addi %mul3A_0, %arg0 : i32
    %mul3A_1 = arith.constant 6656 : i32
    %mul3A_2 = arith.muli %add3A, %mul3A_1 : i32
    "tpu.region"() ({
      %run_scoped3A = tpu.sem_alloc : memref<!tpu.dma_semaphore, #tpu.memory_space<semaphore_mem>>
      %dma_start3A_247 = tpu.memref_slice %arg3[%mul3A_2] : memref<212992xi32, #tpu.memory_space<hbm>> -> memref<6656xi32, #tpu.memory_space<hbm>>
      %dma_start3A_248 = tpu.memref_slice %arg3[%mul3A_2] : memref<212992xi32, #tpu.memory_space<hbm>> -> memref<6656xi32, #tpu.memory_space<hbm>>
      tpu.enqueue_dma source(%dma_start3A_248 : memref<6656xi32, #tpu.memory_space<hbm>>) target(%arg5 : memref<6656xi32, #tpu.memory_space<vmem>>) target_semaphore(%run_scoped3A : memref<!tpu.dma_semaphore, #tpu.memory_space<semaphore_mem>>)
      %dma_wait3A_249 = tpu.memref_slice %arg3[%mul3A_2] : memref<212992xi32, #tpu.memory_space<hbm>> -> memref<6656xi32, #tpu.memory_space<hbm>>
      %dma_wait3A_250 = tpu.memref_slice %arg3[%mul3A_2] : memref<212992xi32, #tpu.memory_space<hbm>> -> memref<6656xi32, #tpu.memory_space<hbm>>
      tpu.wait_dma2 semaphore(%run_scoped3A : memref<!tpu.dma_semaphore, #tpu.memory_space<semaphore_mem>>) src(%dma_wait3A_250 : memref<6656xi32, #tpu.memory_space<hbm>>) dst(%arg5 : memref<6656xi32, #tpu.memory_space<vmem>>)
      tpu.yield
    }) : () -> ()
    %scan3A = arith.constant 0 : i32
    %scan3A_3 = arith.constant 0 : i32
    %scan3A_4 = arith.constant 416 : i32
    %scan3A_5 = arith.addi %scan3A_3, %scan3A_4 : i32
    %scan3A_6 = arith.constant 1 : i32
    %scan3A_7 = scf.for %scan3A_247 = %scan3A_3 to %scan3A_5 step %scan3A_6 iter_args(%scan3A_248 = %scan3A) -> (i32)  : i32 {
      %mul3A_249 = arith.constant 16 : i32
      %mul3A_250 = arith.muli %scan3A_247, %mul3A_249 : i32
      %iota3A = tpu.iota {dimensions = array<i32: 0>} : vector<16xi32>
      %add3A_251 = vector.broadcast %mul3A_250 : i32 to vector<16xi32>
      %add3A_252 = arith.addi %add3A_251, %iota3A : vector<16xi32>
      %jit3A = arith.constant 26 : i32
      %div3A = arith.divsi %scan3A_247, %jit3A : i32
      %sign3A = arith.constant 0 : i32
      %sign3A_253 = arith.cmpi sgt, %scan3A_247, %sign3A : i32
      %sign3A_254 = arith.extui %sign3A_253 : i1 to i32
      %sign3A_255 = arith.constant 0 : i32
      %sign3A_256 = arith.cmpi slt, %scan3A_247, %sign3A_255 : i32
      %sign3A_257 = arith.extui %sign3A_256 : i1 to i32
      %sign3A_258 = arith.subi %sign3A_254, %sign3A_257 : i32
      %sign3A_259 = arith.constant 0 : i32
      %sign3A_260 = arith.cmpi sgt, %jit3A, %sign3A_259 : i32
      %sign3A_261 = arith.extui %sign3A_260 : i1 to i32
      %sign3A_262 = arith.constant 0 : i32
      %sign3A_263 = arith.cmpi slt, %jit3A, %sign3A_262 : i32
      %sign3A_264 = arith.extui %sign3A_263 : i1 to i32
      %sign3A_265 = arith.subi %sign3A_261, %sign3A_264 : i32
      %ne3A = arith.cmpi ne, %sign3A_258, %sign3A_265 : i32
      %rem3A = arith.remsi %scan3A_247, %jit3A : i32
      %ne3A_266 = arith.constant 0 : i32
      %ne3A_267 = arith.cmpi ne, %rem3A, %ne3A_266 : i32
      %and3A = arith.andi %ne3A, %ne3A_267 : i1
      %sub3A = arith.constant 1 : i32
      %sub3A_268 = arith.subi %div3A, %sub3A : i32
      %select_n3A = arith.select %and3A, %sub3A_268, %div3A : i32
      %mul3A_269 = arith.constant 416 : i32
      %mul3A_270 = arith.muli %select_n3A, %mul3A_269 : i32
      %sub3A_271 = vector.broadcast %mul3A_270 : i32 to vector<16xi32>
      %sub3A_272 = arith.subi %add3A_252, %sub3A_271 : vector<16xi32>
      %shift_right_arithmetic3A = arith.constant 5 : i32
      %shift_right_arithmetic3A_273 = vector.broadcast %shift_right_arithmetic3A : i32 to vector<16xi32>
      %shift_right_arithmetic3A_274 = arith.shrsi %sub3A_272, %shift_right_arithmetic3A_273 : vector<16xi32>
      %shift_right_arithmetic3A_275 = arith.constant 2 : i32
      %shift_right_arithmetic3A_276 = vector.broadcast %shift_right_arithmetic3A_275 : i32 to vector<16xi32>
      %shift_right_arithmetic3A_277 = arith.shrsi %sub3A_272, %shift_right_arithmetic3A_276 : vector<16xi32>
      %and3A_278 = arith.constant 7 : i32
      %and3A_279 = vector.broadcast %and3A_278 : i32 to vector<16xi32>
      %and3A_280 = arith.andi %shift_right_arithmetic3A_277, %and3A_279 : vector<16xi32>
      %and3A_281 = arith.constant 3 : i32
      %and3A_282 = vector.broadcast %and3A_281 : i32 to vector<16xi32>
      %and3A_283 = arith.andi %sub3A_272, %and3A_282 : vector<16xi32>
      %mul3A_284 = arith.constant 416 : i32
      %mul3A_285 = arith.muli %select_n3A, %mul3A_284 : i32
      %mul3A_286 = arith.constant 52 : i32
      %mul3A_287 = vector.broadcast %mul3A_286 : i32 to vector<16xi32>
      %mul3A_288 = arith.muli %and3A_280, %mul3A_287 : vector<16xi32>
      %add3A_289 = vector.broadcast %mul3A_285 : i32 to vector<16xi32>
      %add3A_290 = arith.addi %add3A_289, %mul3A_288 : vector<16xi32>
      %shift_left3A = arith.constant 2 : i32
      %shift_left3A_291 = vector.broadcast %shift_left3A : i32 to vector<16xi32>
      %shift_left3A_292 = arith.shli %shift_right_arithmetic3A_274, %shift_left3A_291 : vector<16xi32>
      %add3A_293 = arith.addi %add3A_290, %shift_left3A_292 : vector<16xi32>
      %add3A_294 = arith.addi %add3A_293, %and3A_283 : vector<16xi32>
      %gather3A = tpu.vector_load_idx %arg5[%add3A_294] : memref<6656xi32, #tpu.memory_space<vmem>>[vector<16xi32>], vector<16xi32>,
      %mul3A_295 = arith.constant 16 : i32
      %mul3A_296 = arith.muli %scan3A_247, %mul3A_295 : i32
      %swap3A = arith.index_cast %mul3A_296 : i32 to index
      %swap3A_297 = tpu.vector_load %arg6[%swap3A] {strides = array<i32>} : memref<6656xi32, #tpu.memory_space<vmem>>, vector<16xi32>,
      tpu.vector_store %arg6[%swap3A], %gather3A {strides = array<i32>} : memref<6656xi32, #tpu.memory_space<vmem>>, vector<16xi32>,
      %scan3A_298 = arith.constant 0 : i32
      scf.yield %scan3A_298 : i32
    }
    %scan3A_8 = arith.constant 416 : i32
    %dma_start3A = arith.constant 0 : i32
    %dma_start3A_9 = arith.constant 0 : i32
    %dma_start3A_10 = arith.constant 0 : i32
    %dma_start3A_11 = arith.constant 0 : i32
    %dma_start3A_12 = tpu.memref_slice %arg7[%dma_start3A, %dma_start3A_10, %dma_start3A_11] : memref<2x1664x32xf32, #tpu.memory_space<vmem>> -> memref<1x1664x32xf32, #tpu.memory_space<vmem>>
    %dma_start3A_13 = tpu.memref_squeeze %dma_start3A_12 : memref<1x1664x32xf32, #tpu.memory_space<vmem>> -> memref<1664x32xf32, #tpu.memory_space<vmem>>
    %dma_start3A_14 = arith.constant 0 : i32
    %dma_start3A_15 = tpu.memref_slice %arg6[%dma_start3A_14] : memref<6656xi32, #tpu.memory_space<vmem>> -> memref<1664xi32, #tpu.memory_space<vmem>>
    %dma_start3A_16 = arith.constant 0 : i32
    %dma_start3A_17 = arith.constant 0 : i32
    %dma_start3A_18 = tpu.memref_slice %arg2[%dma_start3A_16, %dma_start3A_17] : memref<2000x32xf32, #tpu.memory_space<hbm>> -> memref<2000x32xf32, #tpu.memory_space<hbm>>
    %dma_start3A_19 = tpu.memref_slice %arg8[%dma_start3A_9] : memref<2x!tpu.dma_semaphore, #tpu.memory_space<semaphore_mem>> -> memref<1x!tpu.dma_semaphore, #tpu.memory_space<semaphore_mem>>
    %dma_start3A_20 = tpu.memref_squeeze %dma_start3A_19 : memref<1x!tpu.dma_semaphore, #tpu.memory_space<semaphore_mem>> -> memref<!tpu.dma_semaphore, #tpu.memory_space<semaphore_mem>>
    tpu.enqueue_indirect_dma source(%dma_start3A_18 : memref<2000x32xf32, #tpu.memory_space<hbm>>) target(%dma_start3A_13 : memref<1664x32xf32, #tpu.memory_space<vmem>>) offsets(%dma_start3A_15 : memref<1664xi32, #tpu.memory_space<vmem>>) semaphore(%dma_start3A_20 : memref<!tpu.dma_semaphore, #tpu.memory_space<semaphore_mem>>)
    %dma_wait3A = arith.constant 0 : i32
    %dma_wait3A_21 = arith.constant 0 : i32
    %dma_wait3A_22 = arith.constant 0 : i32
    %dma_wait3A_23 = arith.constant 0 : i32
    %dma_wait3A_24 = tpu.memref_slice %arg7[%dma_wait3A, %dma_wait3A_22, %dma_wait3A_23] : memref<2x1664x32xf32, #tpu.memory_space<vmem>> -> memref<1x1664x32xf32, #tpu.memory_space<vmem>>
    %dma_wait3A_25 = tpu.memref_squeeze %dma_wait3A_24 : memref<1x1664x32xf32, #tpu.memory_space<vmem>> -> memref<1664x32xf32, #tpu.memory_space<vmem>>
    %dma_wait3A_26 = arith.constant 0 : i32
    %dma_wait3A_27 = tpu.memref_slice %arg6[%dma_wait3A_26] : memref<6656xi32, #tpu.memory_space<vmem>> -> memref<1664xi32, #tpu.memory_space<vmem>>
    %dma_wait3A_28 = arith.constant 0 : i32
    %dma_wait3A_29 = arith.constant 0 : i32
    %dma_wait3A_30 = tpu.memref_slice %arg2[%dma_wait3A_28, %dma_wait3A_29] : memref<2000x32xf32, #tpu.memory_space<hbm>> -> memref<2000x32xf32, #tpu.memory_space<hbm>>
    %dma_wait3A_31 = tpu.memref_slice %arg8[%dma_wait3A_21] : memref<2x!tpu.dma_semaphore, #tpu.memory_space<semaphore_mem>> -> memref<1x!tpu.dma_semaphore, #tpu.memory_space<semaphore_mem>>
    %dma_wait3A_32 = tpu.memref_squeeze %dma_wait3A_31 : memref<1x!tpu.dma_semaphore, #tpu.memory_space<semaphore_mem>> -> memref<!tpu.dma_semaphore, #tpu.memory_space<semaphore_mem>>
    tpu.wait_indirect_dma semaphore(%dma_wait3A_32 : memref<!tpu.dma_semaphore, #tpu.memory_space<semaphore_mem>>) src(%dma_wait3A_30 : memref<2000x32xf32, #tpu.memory_space<hbm>>) dst(%dma_wait3A_25 : memref<1664x32xf32, #tpu.memory_space<vmem>>)
    %add3A_33 = arith.constant 0 : i32
    %add3A_34 = arith.addi %mul3A_2, %add3A_33 : i32
    %dma_start3A_35 = arith.constant 0 : i32
    %dma_start3A_36 = arith.constant 0 : i32
    %dma_start3A_37 = arith.constant 0 : i32
    %dma_start3A_38 = arith.constant 0 : i32
    %dma_start3A_39 = tpu.memref_slice %arg7[%dma_start3A_35, %dma_start3A_37, %dma_start3A_38] : memref<2x1664x32xf32, #tpu.memory_space<vmem>> -> memref<1x1664x32xf32, #tpu.memory_space<vmem>>
    %dma_start3A_40 = tpu.memref_squeeze %dma_start3A_39 : memref<1x1664x32xf32, #tpu.memory_space<vmem>> -> memref<1664x32xf32, #tpu.memory_space<vmem>>
    %dma_start3A_41 = arith.constant 0 : i32
    %dma_start3A_42 = tpu.memref_slice %arg4[%add3A_34, %dma_start3A_41] : memref<212992x32xf32, #tpu.memory_space<hbm>> -> memref<1664x32xf32, #tpu.memory_space<hbm>>
    %dma_start3A_43 = tpu.memref_slice %arg9[%dma_start3A_36] : memref<2x!tpu.dma_semaphore, #tpu.memory_space<semaphore_mem>> -> memref<1x!tpu.dma_semaphore, #tpu.memory_space<semaphore_mem>>
    %dma_start3A_44 = tpu.memref_squeeze %dma_start3A_43 : memref<1x!tpu.dma_semaphore, #tpu.memory_space<semaphore_mem>> -> memref<!tpu.dma_semaphore, #tpu.memory_space<semaphore_mem>>
    %dma_start3A_45 = arith.constant 0 : i32
    %dma_start3A_46 = tpu.memref_slice %arg4[%add3A_34, %dma_start3A_45] : memref<212992x32xf32, #tpu.memory_space<hbm>> -> memref<1664x32xf32, #tpu.memory_space<hbm>>
    %dma_start3A_47 = arith.constant 0 : i32
    %dma_start3A_48 = arith.constant 0 : i32
    %dma_start3A_49 = tpu.memref_slice %arg7[%dma_start3A_35, %dma_start3A_47, %dma_start3A_48] : memref<2x1664x32xf32, #tpu.memory_space<vmem>> -> memref<1x1664x32xf32, #tpu.memory_space<vmem>>
    %dma_start3A_50 = tpu.memref_squeeze %dma_start3A_49 : memref<1x1664x32xf32, #tpu.memory_space<vmem>> -> memref<1664x32xf32, #tpu.memory_space<vmem>>
    tpu.enqueue_dma source(%dma_start3A_50 : memref<1664x32xf32, #tpu.memory_space<vmem>>) target(%dma_start3A_46 : memref<1664x32xf32, #tpu.memory_space<hbm>>) target_semaphore(%dma_start3A_44 : memref<!tpu.dma_semaphore, #tpu.memory_space<semaphore_mem>>)
    %dma_start3A_51 = arith.constant 1 : i32
    %dma_start3A_52 = arith.constant 1 : i32
    %dma_start3A_53 = arith.constant 0 : i32
    %dma_start3A_54 = arith.constant 0 : i32
    %dma_start3A_55 = tpu.memref_slice %arg7[%dma_start3A_51, %dma_start3A_53, %dma_start3A_54] : memref<2x1664x32xf32, #tpu.memory_space<vmem>> -> memref<1x1664x32xf32, #tpu.memory_space<vmem>>
    %dma_start3A_56 = tpu.memref_squeeze %dma_start3A_55 : memref<1x1664x32xf32, #tpu.memory_space<vmem>> -> memref<1664x32xf32, #tpu.memory_space<vmem>>
    %dma_start3A_57 = arith.constant 1664 : i32
    %dma_start3A_58 = tpu.memref_slice %arg6[%dma_start3A_57] : memref<6656xi32, #tpu.memory_space<vmem>> -> memref<1664xi32, #tpu.memory_space<vmem>>
    %dma_start3A_59 = arith.constant 0 : i32
    %dma_start3A_60 = arith.constant 0 : i32
    %dma_start3A_61 = tpu.memref_slice %arg2[%dma_start3A_59, %dma_start3A_60] : memref<2000x32xf32, #tpu.memory_space<hbm>> -> memref<2000x32xf32, #tpu.memory_space<hbm>>
    %dma_start3A_62 = tpu.memref_slice %arg8[%dma_start3A_52] : memref<2x!tpu.dma_semaphore, #tpu.memory_space<semaphore_mem>> -> memref<1x!tpu.dma_semaphore, #tpu.memory_space<semaphore_mem>>
    %dma_start3A_63 = tpu.memref_squeeze %dma_start3A_62 : memref<1x!tpu.dma_semaphore, #tpu.memory_space<semaphore_mem>> -> memref<!tpu.dma_semaphore, #tpu.memory_space<semaphore_mem>>
    tpu.enqueue_indirect_dma source(%dma_start3A_61 : memref<2000x32xf32, #tpu.memory_space<hbm>>) target(%dma_start3A_56 : memref<1664x32xf32, #tpu.memory_space<vmem>>) offsets(%dma_start3A_58 : memref<1664xi32, #tpu.memory_space<vmem>>) semaphore(%dma_start3A_63 : memref<!tpu.dma_semaphore, #tpu.memory_space<semaphore_mem>>)
    %dma_wait3A_64 = arith.constant 1 : i32
    %dma_wait3A_65 = arith.constant 1 : i32
    %dma_wait3A_66 = arith.constant 0 : i32
    %dma_wait3A_67 = arith.constant 0 : i32
    %dma_wait3A_68 = tpu.memref_slice %arg7[%dma_wait3A_64, %dma_wait3A_66, %dma_wait3A_67] : memref<2x1664x32xf32, #tpu.memory_space<vmem>> -> memref<1x1664x32xf32, #tpu.memory_space<vmem>>
    %dma_wait3A_69 = tpu.memref_squeeze %dma_wait3A_68 : memref<1x1664x32xf32, #tpu.memory_space<vmem>> -> memref<1664x32xf32, #tpu.memory_space<vmem>>
    %dma_wait3A_70 = arith.constant 1664 : i32
    %dma_wait3A_71 = tpu.memref_slice %arg6[%dma_wait3A_70] : memref<6656xi32, #tpu.memory_space<vmem>> -> memref<1664xi32, #tpu.memory_space<vmem>>
    %dma_wait3A_72 = arith.constant 0 : i32
    %dma_wait3A_73 = arith.constant 0 : i32
    %dma_wait3A_74 = tpu.memref_slice %arg2[%dma_wait3A_72, %dma_wait3A_73] : memref<2000x32xf32, #tpu.memory_space<hbm>> -> memref<2000x32xf32, #tpu.memory_space<hbm>>
    %dma_wait3A_75 = tpu.memref_slice %arg8[%dma_wait3A_65] : memref<2x!tpu.dma_semaphore, #tpu.memory_space<semaphore_mem>> -> memref<1x!tpu.dma_semaphore, #tpu.memory_space<semaphore_mem>>
    %dma_wait3A_76 = tpu.memref_squeeze %dma_wait3A_75 : memref<1x!tpu.dma_semaphore, #tpu.memory_space<semaphore_mem>> -> memref<!tpu.dma_semaphore, #tpu.memory_space<semaphore_mem>>
    tpu.wait_indirect_dma semaphore(%dma_wait3A_76 : memref<!tpu.dma_semaphore, #tpu.memory_space<semaphore_mem>>) src(%dma_wait3A_74 : memref<2000x32xf32, #tpu.memory_space<hbm>>) dst(%dma_wait3A_69 : memref<1664x32xf32, #tpu.memory_space<vmem>>)
    %add3A_77 = arith.constant 1664 : i32
    %add3A_78 = arith.addi %mul3A_2, %add3A_77 : i32
    %dma_start3A_79 = arith.constant 1 : i32
    %dma_start3A_80 = arith.constant 1 : i32
    %dma_start3A_81 = arith.constant 0 : i32
    %dma_start3A_82 = arith.constant 0 : i32
    %dma_start3A_83 = tpu.memref_slice %arg7[%dma_start3A_79, %dma_start3A_81, %dma_start3A_82] : memref<2x1664x32xf32, #tpu.memory_space<vmem>> -> memref<1x1664x32xf32, #tpu.memory_space<vmem>>
    %dma_start3A_84 = tpu.memref_squeeze %dma_start3A_83 : memref<1x1664x32xf32, #tpu.memory_space<vmem>> -> memref<1664x32xf32, #tpu.memory_space<vmem>>
    %dma_start3A_85 = arith.constant 0 : i32
    %dma_start3A_86 = tpu.memref_slice %arg4[%add3A_78, %dma_start3A_85] : memref<212992x32xf32, #tpu.memory_space<hbm>> -> memref<1664x32xf32, #tpu.memory_space<hbm>>
    %dma_start3A_87 = tpu.memref_slice %arg9[%dma_start3A_80] : memref<2x!tpu.dma_semaphore, #tpu.memory_space<semaphore_mem>> -> memref<1x!tpu.dma_semaphore, #tpu.memory_space<semaphore_mem>>
    %dma_start3A_88 = tpu.memref_squeeze %dma_start3A_87 : memref<1x!tpu.dma_semaphore, #tpu.memory_space<semaphore_mem>> -> memref<!tpu.dma_semaphore, #tpu.memory_space<semaphore_mem>>
    %dma_start3A_89 = arith.constant 0 : i32
    %dma_start3A_90 = tpu.memref_slice %arg4[%add3A_78, %dma_start3A_89] : memref<212992x32xf32, #tpu.memory_space<hbm>> -> memref<1664x32xf32, #tpu.memory_space<hbm>>
    %dma_start3A_91 = arith.constant 0 : i32
    %dma_start3A_92 = arith.constant 0 : i32
    %dma_start3A_93 = tpu.memref_slice %arg7[%dma_start3A_79, %dma_start3A_91, %dma_start3A_92] : memref<2x1664x32xf32, #tpu.memory_space<vmem>> -> memref<1x1664x32xf32, #tpu.memory_space<vmem>>
    %dma_start3A_94 = tpu.memref_squeeze %dma_start3A_93 : memref<1x1664x32xf32, #tpu.memory_space<vmem>> -> memref<1664x32xf32, #tpu.memory_space<vmem>>
    tpu.enqueue_dma source(%dma_start3A_94 : memref<1664x32xf32, #tpu.memory_space<vmem>>) target(%dma_start3A_90 : memref<1664x32xf32, #tpu.memory_space<hbm>>) target_semaphore(%dma_start3A_88 : memref<!tpu.dma_semaphore, #tpu.memory_space<semaphore_mem>>)
    %dma_wait3A_95 = arith.constant 0 : i32
    %dma_wait3A_96 = arith.constant 0 : i32
    %dma_wait3A_97 = arith.constant 0 : i32
    %dma_wait3A_98 = arith.constant 0 : i32
    %dma_wait3A_99 = tpu.memref_slice %arg7[%dma_wait3A_95, %dma_wait3A_97, %dma_wait3A_98] : memref<2x1664x32xf32, #tpu.memory_space<vmem>> -> memref<1x1664x32xf32, #tpu.memory_space<vmem>>
    %dma_wait3A_100 = tpu.memref_squeeze %dma_wait3A_99 : memref<1x1664x32xf32, #tpu.memory_space<vmem>> -> memref<1664x32xf32, #tpu.memory_space<vmem>>
    %dma_wait3A_101 = arith.constant 0 : i32
    %dma_wait3A_102 = tpu.memref_slice %arg4[%add3A_34, %dma_wait3A_101] : memref<212992x32xf32, #tpu.memory_space<hbm>> -> memref<1664x32xf32, #tpu.memory_space<hbm>>
    %dma_wait3A_103 = tpu.memref_slice %arg9[%dma_wait3A_96] : memref<2x!tpu.dma_semaphore, #tpu.memory_space<semaphore_mem>> -> memref<1x!tpu.dma_semaphore, #tpu.memory_space<semaphore_mem>>
    %dma_wait3A_104 = tpu.memref_squeeze %dma_wait3A_103 : memref<1x!tpu.dma_semaphore, #tpu.memory_space<semaphore_mem>> -> memref<!tpu.dma_semaphore, #tpu.memory_space<semaphore_mem>>
    %dma_wait3A_105 = arith.constant 0 : i32
    %dma_wait3A_106 = tpu.memref_slice %arg4[%add3A_34, %dma_wait3A_105] : memref<212992x32xf32, #tpu.memory_space<hbm>> -> memref<1664x32xf32, #tpu.memory_space<hbm>>
    %dma_wait3A_107 = arith.constant 0 : i32
    %dma_wait3A_108 = arith.constant 0 : i32
    %dma_wait3A_109 = tpu.memref_slice %arg7[%dma_wait3A_95, %dma_wait3A_107, %dma_wait3A_108] : memref<2x1664x32xf32, #tpu.memory_space<vmem>> -> memref<1x1664x32xf32, #tpu.memory_space<vmem>>
    %dma_wait3A_110 = tpu.memref_squeeze %dma_wait3A_109 : memref<1x1664x32xf32, #tpu.memory_space<vmem>> -> memref<1664x32xf32, #tpu.memory_space<vmem>>
    tpu.wait_dma2 semaphore(%dma_wait3A_104 : memref<!tpu.dma_semaphore, #tpu.memory_space<semaphore_mem>>) src(%dma_wait3A_110 : memref<1664x32xf32, #tpu.memory_space<vmem>>) dst(%dma_wait3A_106 : memref<1664x32xf32, #tpu.memory_space<hbm>>)
    %dma_start3A_111 = arith.constant 0 : i32
    %dma_start3A_112 = arith.constant 0 : i32
    %dma_start3A_113 = arith.constant 0 : i32
    %dma_start3A_114 = arith.constant 0 : i32
    %dma_start3A_115 = tpu.memref_slice %arg7[%dma_start3A_111, %dma_start3A_113, %dma_start3A_114] : memref<2x1664x32xf32, #tpu.memory_space<vmem>> -> memref<1x1664x32xf32, #tpu.memory_space<vmem>>
    %dma_start3A_116 = tpu.memref_squeeze %dma_start3A_115 : memref<1x1664x32xf32, #tpu.memory_space<vmem>> -> memref<1664x32xf32, #tpu.memory_space<vmem>>
    %dma_start3A_117 = arith.constant 3328 : i32
    %dma_start3A_118 = tpu.memref_slice %arg6[%dma_start3A_117] : memref<6656xi32, #tpu.memory_space<vmem>> -> memref<1664xi32, #tpu.memory_space<vmem>>
    %dma_start3A_119 = arith.constant 0 : i32
    %dma_start3A_120 = arith.constant 0 : i32
    %dma_start3A_121 = tpu.memref_slice %arg2[%dma_start3A_119, %dma_start3A_120] : memref<2000x32xf32, #tpu.memory_space<hbm>> -> memref<2000x32xf32, #tpu.memory_space<hbm>>
    %dma_start3A_122 = tpu.memref_slice %arg8[%dma_start3A_112] : memref<2x!tpu.dma_semaphore, #tpu.memory_space<semaphore_mem>> -> memref<1x!tpu.dma_semaphore, #tpu.memory_space<semaphore_mem>>
    %dma_start3A_123 = tpu.memref_squeeze %dma_start3A_122 : memref<1x!tpu.dma_semaphore, #tpu.memory_space<semaphore_mem>> -> memref<!tpu.dma_semaphore, #tpu.memory_space<semaphore_mem>>
    tpu.enqueue_indirect_dma source(%dma_start3A_121 : memref<2000x32xf32, #tpu.memory_space<hbm>>) target(%dma_start3A_116 : memref<1664x32xf32, #tpu.memory_space<vmem>>) offsets(%dma_start3A_118 : memref<1664xi32, #tpu.memory_space<vmem>>) semaphore(%dma_start3A_123 : memref<!tpu.dma_semaphore, #tpu.memory_space<semaphore_mem>>)
    %dma_wait3A_124 = arith.constant 0 : i32
    %dma_wait3A_125 = arith.constant 0 : i32
    %dma_wait3A_126 = arith.constant 0 : i32
    %dma_wait3A_127 = arith.constant 0 : i32
    %dma_wait3A_128 = tpu.memref_slice %arg7[%dma_wait3A_124, %dma_wait3A_126, %dma_wait3A_127] : memref<2x1664x32xf32, #tpu.memory_space<vmem>> -> memref<1x1664x32xf32, #tpu.memory_space<vmem>>
    %dma_wait3A_129 = tpu.memref_squeeze %dma_wait3A_128 : memref<1x1664x32xf32, #tpu.memory_space<vmem>> -> memref<1664x32xf32, #tpu.memory_space<vmem>>
    %dma_wait3A_130 = arith.constant 3328 : i32
    %dma_wait3A_131 = tpu.memref_slice %arg6[%dma_wait3A_130] : memref<6656xi32, #tpu.memory_space<vmem>> -> memref<1664xi32, #tpu.memory_space<vmem>>
    %dma_wait3A_132 = arith.constant 0 : i32
    %dma_wait3A_133 = arith.constant 0 : i32
    %dma_wait3A_134 = tpu.memref_slice %arg2[%dma_wait3A_132, %dma_wait3A_133] : memref<2000x32xf32, #tpu.memory_space<hbm>> -> memref<2000x32xf32, #tpu.memory_space<hbm>>
    %dma_wait3A_135 = tpu.memref_slice %arg8[%dma_wait3A_125] : memref<2x!tpu.dma_semaphore, #tpu.memory_space<semaphore_mem>> -> memref<1x!tpu.dma_semaphore, #tpu.memory_space<semaphore_mem>>
    %dma_wait3A_136 = tpu.memref_squeeze %dma_wait3A_135 : memref<1x!tpu.dma_semaphore, #tpu.memory_space<semaphore_mem>> -> memref<!tpu.dma_semaphore, #tpu.memory_space<semaphore_mem>>
    tpu.wait_indirect_dma semaphore(%dma_wait3A_136 : memref<!tpu.dma_semaphore, #tpu.memory_space<semaphore_mem>>) src(%dma_wait3A_134 : memref<2000x32xf32, #tpu.memory_space<hbm>>) dst(%dma_wait3A_129 : memref<1664x32xf32, #tpu.memory_space<vmem>>)
    %add3A_137 = arith.constant 3328 : i32
    %add3A_138 = arith.addi %mul3A_2, %add3A_137 : i32
    %dma_start3A_139 = arith.constant 0 : i32
    %dma_start3A_140 = arith.constant 0 : i32
    %dma_start3A_141 = arith.constant 0 : i32
    %dma_start3A_142 = arith.constant 0 : i32
    %dma_start3A_143 = tpu.memref_slice %arg7[%dma_start3A_139, %dma_start3A_141, %dma_start3A_142] : memref<2x1664x32xf32, #tpu.memory_space<vmem>> -> memref<1x1664x32xf32, #tpu.memory_space<vmem>>
    %dma_start3A_144 = tpu.memref_squeeze %dma_start3A_143 : memref<1x1664x32xf32, #tpu.memory_space<vmem>> -> memref<1664x32xf32, #tpu.memory_space<vmem>>
    %dma_start3A_145 = arith.constant 0 : i32
    %dma_start3A_146 = tpu.memref_slice %arg4[%add3A_138, %dma_start3A_145] : memref<212992x32xf32, #tpu.memory_space<hbm>> -> memref<1664x32xf32, #tpu.memory_space<hbm>>
    %dma_start3A_147 = tpu.memref_slice %arg9[%dma_start3A_140] : memref<2x!tpu.dma_semaphore, #tpu.memory_space<semaphore_mem>> -> memref<1x!tpu.dma_semaphore, #tpu.memory_space<semaphore_mem>>
    %dma_start3A_148 = tpu.memref_squeeze %dma_start3A_147 : memref<1x!tpu.dma_semaphore, #tpu.memory_space<semaphore_mem>> -> memref<!tpu.dma_semaphore, #tpu.memory_space<semaphore_mem>>
    %dma_start3A_149 = arith.constant 0 : i32
    %dma_start3A_150 = tpu.memref_slice %arg4[%add3A_138, %dma_start3A_149] : memref<212992x32xf32, #tpu.memory_space<hbm>> -> memref<1664x32xf32, #tpu.memory_space<hbm>>
    %dma_start3A_151 = arith.constant 0 : i32
    %dma_start3A_152 = arith.constant 0 : i32
    %dma_start3A_153 = tpu.memref_slice %arg7[%dma_start3A_139, %dma_start3A_151, %dma_start3A_152] : memref<2x1664x32xf32, #tpu.memory_space<vmem>> -> memref<1x1664x32xf32, #tpu.memory_space<vmem>>
    %dma_start3A_154 = tpu.memref_squeeze %dma_start3A_153 : memref<1x1664x32xf32, #tpu.memory_space<vmem>> -> memref<1664x32xf32, #tpu.memory_space<vmem>>
    tpu.enqueue_dma source(%dma_start3A_154 : memref<1664x32xf32, #tpu.memory_space<vmem>>) target(%dma_start3A_150 : memref<1664x32xf32, #tpu.memory_space<hbm>>) target_semaphore(%dma_start3A_148 : memref<!tpu.dma_semaphore, #tpu.memory_space<semaphore_mem>>)
    %dma_wait3A_155 = arith.constant 1 : i32
    %dma_wait3A_156 = arith.constant 1 : i32
    %dma_wait3A_157 = arith.constant 0 : i32
    %dma_wait3A_158 = arith.constant 0 : i32
    %dma_wait3A_159 = tpu.memref_slice %arg7[%dma_wait3A_155, %dma_wait3A_157, %dma_wait3A_158] : memref<2x1664x32xf32, #tpu.memory_space<vmem>> -> memref<1x1664x32xf32, #tpu.memory_space<vmem>>
    %dma_wait3A_160 = tpu.memref_squeeze %dma_wait3A_159 : memref<1x1664x32xf32, #tpu.memory_space<vmem>> -> memref<1664x32xf32, #tpu.memory_space<vmem>>
    %dma_wait3A_161 = arith.constant 0 : i32
    %dma_wait3A_162 = tpu.memref_slice %arg4[%add3A_78, %dma_wait3A_161] : memref<212992x32xf32, #tpu.memory_space<hbm>> -> memref<1664x32xf32, #tpu.memory_space<hbm>>
    %dma_wait3A_163 = tpu.memref_slice %arg9[%dma_wait3A_156] : memref<2x!tpu.dma_semaphore, #tpu.memory_space<semaphore_mem>> -> memref<1x!tpu.dma_semaphore, #tpu.memory_space<semaphore_mem>>
    %dma_wait3A_164 = tpu.memref_squeeze %dma_wait3A_163 : memref<1x!tpu.dma_semaphore, #tpu.memory_space<semaphore_mem>> -> memref<!tpu.dma_semaphore, #tpu.memory_space<semaphore_mem>>
    %dma_wait3A_165 = arith.constant 0 : i32
    %dma_wait3A_166 = tpu.memref_slice %arg4[%add3A_78, %dma_wait3A_165] : memref<212992x32xf32, #tpu.memory_space<hbm>> -> memref<1664x32xf32, #tpu.memory_space<hbm>>
    %dma_wait3A_167 = arith.constant 0 : i32
    %dma_wait3A_168 = arith.constant 0 : i32
    %dma_wait3A_169 = tpu.memref_slice %arg7[%dma_wait3A_155, %dma_wait3A_167, %dma_wait3A_168] : memref<2x1664x32xf32, #tpu.memory_space<vmem>> -> memref<1x1664x32xf32, #tpu.memory_space<vmem>>
    %dma_wait3A_170 = tpu.memref_squeeze %dma_wait3A_169 : memref<1x1664x32xf32, #tpu.memory_space<vmem>> -> memref<1664x32xf32, #tpu.memory_space<vmem>>
    tpu.wait_dma2 semaphore(%dma_wait3A_164 : memref<!tpu.dma_semaphore, #tpu.memory_space<semaphore_mem>>) src(%dma_wait3A_170 : memref<1664x32xf32, #tpu.memory_space<vmem>>) dst(%dma_wait3A_166 : memref<1664x32xf32, #tpu.memory_space<hbm>>)
    %dma_start3A_171 = arith.constant 1 : i32
    %dma_start3A_172 = arith.constant 1 : i32
    %dma_start3A_173 = arith.constant 0 : i32
    %dma_start3A_174 = arith.constant 0 : i32
    %dma_start3A_175 = tpu.memref_slice %arg7[%dma_start3A_171, %dma_start3A_173, %dma_start3A_174] : memref<2x1664x32xf32, #tpu.memory_space<vmem>> -> memref<1x1664x32xf32, #tpu.memory_space<vmem>>
    %dma_start3A_176 = tpu.memref_squeeze %dma_start3A_175 : memref<1x1664x32xf32, #tpu.memory_space<vmem>> -> memref<1664x32xf32, #tpu.memory_space<vmem>>
    %dma_start3A_177 = arith.constant 4992 : i32
    %dma_start3A_178 = tpu.memref_slice %arg6[%dma_start3A_177] : memref<6656xi32, #tpu.memory_space<vmem>> -> memref<1664xi32, #tpu.memory_space<vmem>>
    %dma_start3A_179 = arith.constant 0 : i32
    %dma_start3A_180 = arith.constant 0 : i32
    %dma_start3A_181 = tpu.memref_slice %arg2[%dma_start3A_179, %dma_start3A_180] : memref<2000x32xf32, #tpu.memory_space<hbm>> -> memref<2000x32xf32, #tpu.memory_space<hbm>>
    %dma_start3A_182 = tpu.memref_slice %arg8[%dma_start3A_172] : memref<2x!tpu.dma_semaphore, #tpu.memory_space<semaphore_mem>> -> memref<1x!tpu.dma_semaphore, #tpu.memory_space<semaphore_mem>>
    %dma_start3A_183 = tpu.memref_squeeze %dma_start3A_182 : memref<1x!tpu.dma_semaphore, #tpu.memory_space<semaphore_mem>> -> memref<!tpu.dma_semaphore, #tpu.memory_space<semaphore_mem>>
    tpu.enqueue_indirect_dma source(%dma_start3A_181 : memref<2000x32xf32, #tpu.memory_space<hbm>>) target(%dma_start3A_176 : memref<1664x32xf32, #tpu.memory_space<vmem>>) offsets(%dma_start3A_178 : memref<1664xi32, #tpu.memory_space<vmem>>) semaphore(%dma_start3A_183 : memref<!tpu.dma_semaphore, #tpu.memory_space<semaphore_mem>>)
    %dma_wait3A_184 = arith.constant 1 : i32
    %dma_wait3A_185 = arith.constant 1 : i32
    %dma_wait3A_186 = arith.constant 0 : i32
    %dma_wait3A_187 = arith.constant 0 : i32
    %dma_wait3A_188 = tpu.memref_slice %arg7[%dma_wait3A_184, %dma_wait3A_186, %dma_wait3A_187] : memref<2x1664x32xf32, #tpu.memory_space<vmem>> -> memref<1x1664x32xf32, #tpu.memory_space<vmem>>
    %dma_wait3A_189 = tpu.memref_squeeze %dma_wait3A_188 : memref<1x1664x32xf32, #tpu.memory_space<vmem>> -> memref<1664x32xf32, #tpu.memory_space<vmem>>
    %dma_wait3A_190 = arith.constant 4992 : i32
    %dma_wait3A_191 = tpu.memref_slice %arg6[%dma_wait3A_190] : memref<6656xi32, #tpu.memory_space<vmem>> -> memref<1664xi32, #tpu.memory_space<vmem>>
    %dma_wait3A_192 = arith.constant 0 : i32
    %dma_wait3A_193 = arith.constant 0 : i32
    %dma_wait3A_194 = tpu.memref_slice %arg2[%dma_wait3A_192, %dma_wait3A_193] : memref<2000x32xf32, #tpu.memory_space<hbm>> -> memref<2000x32xf32, #tpu.memory_space<hbm>>
    %dma_wait3A_195 = tpu.memref_slice %arg8[%dma_wait3A_185] : memref<2x!tpu.dma_semaphore, #tpu.memory_space<semaphore_mem>> -> memref<1x!tpu.dma_semaphore, #tpu.memory_space<semaphore_mem>>
    %dma_wait3A_196 = tpu.memref_squeeze %dma_wait3A_195 : memref<1x!tpu.dma_semaphore, #tpu.memory_space<semaphore_mem>> -> memref<!tpu.dma_semaphore, #tpu.memory_space<semaphore_mem>>
    tpu.wait_indirect_dma semaphore(%dma_wait3A_196 : memref<!tpu.dma_semaphore, #tpu.memory_space<semaphore_mem>>) src(%dma_wait3A_194 : memref<2000x32xf32, #tpu.memory_space<hbm>>) dst(%dma_wait3A_189 : memref<1664x32xf32, #tpu.memory_space<vmem>>)
    %add3A_197 = arith.constant 4992 : i32
    %add3A_198 = arith.addi %mul3A_2, %add3A_197 : i32
    %dma_start3A_199 = arith.constant 1 : i32
    %dma_start3A_200 = arith.constant 1 : i32
    %dma_start3A_201 = arith.constant 0 : i32
    %dma_start3A_202 = arith.constant 0 : i32
    %dma_start3A_203 = tpu.memref_slice %arg7[%dma_start3A_199, %dma_start3A_201, %dma_start3A_202] : memref<2x1664x32xf32, #tpu.memory_space<vmem>> -> memref<1x1664x32xf32, #tpu.memory_space<vmem>>
    %dma_start3A_204 = tpu.memref_squeeze %dma_start3A_203 : memref<1x1664x32xf32, #tpu.memory_space<vmem>> -> memref<1664x32xf32, #tpu.memory_space<vmem>>
    %dma_start3A_205 = arith.constant 0 : i32
    %dma_start3A_206 = tpu.memref_slice %arg4[%add3A_198, %dma_start3A_205] : memref<212992x32xf32, #tpu.memory_space<hbm>> -> memref<1664x32xf32, #tpu.memory_space<hbm>>
    %dma_start3A_207 = tpu.memref_slice %arg9[%dma_start3A_200] : memref<2x!tpu.dma_semaphore, #tpu.memory_space<semaphore_mem>> -> memref<1x!tpu.dma_semaphore, #tpu.memory_space<semaphore_mem>>
    %dma_start3A_208 = tpu.memref_squeeze %dma_start3A_207 : memref<1x!tpu.dma_semaphore, #tpu.memory_space<semaphore_mem>> -> memref<!tpu.dma_semaphore, #tpu.memory_space<semaphore_mem>>
    %dma_start3A_209 = arith.constant 0 : i32
    %dma_start3A_210 = tpu.memref_slice %arg4[%add3A_198, %dma_start3A_209] : memref<212992x32xf32, #tpu.memory_space<hbm>> -> memref<1664x32xf32, #tpu.memory_space<hbm>>
    %dma_start3A_211 = arith.constant 0 : i32
    %dma_start3A_212 = arith.constant 0 : i32
    %dma_start3A_213 = tpu.memref_slice %arg7[%dma_start3A_199, %dma_start3A_211, %dma_start3A_212] : memref<2x1664x32xf32, #tpu.memory_space<vmem>> -> memref<1x1664x32xf32, #tpu.memory_space<vmem>>
    %dma_start3A_214 = tpu.memref_squeeze %dma_start3A_213 : memref<1x1664x32xf32, #tpu.memory_space<vmem>> -> memref<1664x32xf32, #tpu.memory_space<vmem>>
    tpu.enqueue_dma source(%dma_start3A_214 : memref<1664x32xf32, #tpu.memory_space<vmem>>) target(%dma_start3A_210 : memref<1664x32xf32, #tpu.memory_space<hbm>>) target_semaphore(%dma_start3A_208 : memref<!tpu.dma_semaphore, #tpu.memory_space<semaphore_mem>>)
    %dma_wait3A_215 = arith.constant 0 : i32
    %dma_wait3A_216 = arith.constant 0 : i32
    %dma_wait3A_217 = arith.constant 0 : i32
    %dma_wait3A_218 = arith.constant 0 : i32
    %dma_wait3A_219 = tpu.memref_slice %arg7[%dma_wait3A_215, %dma_wait3A_217, %dma_wait3A_218] : memref<2x1664x32xf32, #tpu.memory_space<vmem>> -> memref<1x1664x32xf32, #tpu.memory_space<vmem>>
    %dma_wait3A_220 = tpu.memref_squeeze %dma_wait3A_219 : memref<1x1664x32xf32, #tpu.memory_space<vmem>> -> memref<1664x32xf32, #tpu.memory_space<vmem>>
    %dma_wait3A_221 = arith.constant 0 : i32
    %dma_wait3A_222 = tpu.memref_slice %arg4[%add3A_138, %dma_wait3A_221] : memref<212992x32xf32, #tpu.memory_space<hbm>> -> memref<1664x32xf32, #tpu.memory_space<hbm>>
    %dma_wait3A_223 = tpu.memref_slice %arg9[%dma_wait3A_216] : memref<2x!tpu.dma_semaphore, #tpu.memory_space<semaphore_mem>> -> memref<1x!tpu.dma_semaphore, #tpu.memory_space<semaphore_mem>>
    %dma_wait3A_224 = tpu.memref_squeeze %dma_wait3A_223 : memref<1x!tpu.dma_semaphore, #tpu.memory_space<semaphore_mem>> -> memref<!tpu.dma_semaphore, #tpu.memory_space<semaphore_mem>>
    %dma_wait3A_225 = arith.constant 0 : i32
    %dma_wait3A_226 = tpu.memref_slice %arg4[%add3A_138, %dma_wait3A_225] : memref<212992x32xf32, #tpu.memory_space<hbm>> -> memref<1664x32xf32, #tpu.memory_space<hbm>>
    %dma_wait3A_227 = arith.constant 0 : i32
    %dma_wait3A_228 = arith.constant 0 : i32
    %dma_wait3A_229 = tpu.memref_slice %arg7[%dma_wait3A_215, %dma_wait3A_227, %dma_wait3A_228] : memref<2x1664x32xf32, #tpu.memory_space<vmem>> -> memref<1x1664x32xf32, #tpu.memory_space<vmem>>
    %dma_wait3A_230 = tpu.memref_squeeze %dma_wait3A_229 : memref<1x1664x32xf32, #tpu.memory_space<vmem>> -> memref<1664x32xf32, #tpu.memory_space<vmem>>
    tpu.wait_dma2 semaphore(%dma_wait3A_224 : memref<!tpu.dma_semaphore, #tpu.memory_space<semaphore_mem>>) src(%dma_wait3A_230 : memref<1664x32xf32, #tpu.memory_space<vmem>>) dst(%dma_wait3A_226 : memref<1664x32xf32, #tpu.memory_space<hbm>>)
    %dma_wait3A_231 = arith.constant 1 : i32
    %dma_wait3A_232 = arith.constant 1 : i32
    %dma_wait3A_233 = arith.constant 0 : i32
    %dma_wait3A_234 = arith.constant 0 : i32
    %dma_wait3A_235 = tpu.memref_slice %arg7[%dma_wait3A_231, %dma_wait3A_233, %dma_wait3A_234] : memref<2x1664x32xf32, #tpu.memory_space<vmem>> -> memref<1x1664x32xf32, #tpu.memory_space<vmem>>
    %dma_wait3A_236 = tpu.memref_squeeze %dma_wait3A_235 : memref<1x1664x32xf32, #tpu.memory_space<vmem>> -> memref<1664x32xf32, #tpu.memory_space<vmem>>
    %dma_wait3A_237 = arith.constant 0 : i32
    %dma_wait3A_238 = tpu.memref_slice %arg4[%add3A_198, %dma_wait3A_237] : memref<212992x32xf32, #tpu.memory_space<hbm>> -> memref<1664x32xf32, #tpu.memory_space<hbm>>
    %dma_wait3A_239 = tpu.memref_slice %arg9[%dma_wait3A_232] : memref<2x!tpu.dma_semaphore, #tpu.memory_space<semaphore_mem>> -> memref<1x!tpu.dma_semaphore, #tpu.memory_space<semaphore_mem>>
    %dma_wait3A_240 = tpu.memref_squeeze %dma_wait3A_239 : memref<1x!tpu.dma_semaphore, #tpu.memory_space<semaphore_mem>> -> memref<!tpu.dma_semaphore, #tpu.memory_space<semaphore_mem>>
    %dma_wait3A_241 = arith.constant 0 : i32
    %dma_wait3A_242 = tpu.memref_slice %arg4[%add3A_198, %dma_wait3A_241] : memref<212992x32xf32, #tpu.memory_space<hbm>> -> memref<1664x32xf32, #tpu.memory_space<hbm>>
    %dma_wait3A_243 = arith.constant 0 : i32
    %dma_wait3A_244 = arith.constant 0 : i32
    %dma_wait3A_245 = tpu.memref_slice %arg7[%dma_wait3A_231, %dma_wait3A_243, %dma_wait3A_244] : memref<2x1664x32xf32, #tpu.memory_space<vmem>> -> memref<1x1664x32xf32, #tpu.memory_space<vmem>>
    %dma_wait3A_246 = tpu.memref_squeeze %dma_wait3A_245 : memref<1x1664x32xf32, #tpu.memory_space<vmem>> -> memref<1664x32xf32, #tpu.memory_space<vmem>>
    tpu.wait_dma2 semaphore(%dma_wait3A_240 : memref<!tpu.dma_semaphore, #tpu.memory_space<semaphore_mem>>) src(%dma_wait3A_246 : memref<1664x32xf32, #tpu.memory_space<vmem>>) dst(%dma_wait3A_242 : memref<1664x32xf32, #tpu.memory_space<hbm>>)
    return
  }
}

module attributes {stable_mosaic.version = 14 : i64} {
  func.func @_mlp13_body(%arg0: i32, %arg1: memref<6656x128xf32, #tpu.memory_space<vmem>>, %arg2: memref<13x128x256xf32, #tpu.memory_space<vmem>>, %arg3: memref<1x256xf32, #tpu.memory_space<vmem>>, %arg4: memref<256x10xf32, #tpu.memory_space<vmem>>, %arg5: memref<1x10xf32, #tpu.memory_space<vmem>>, %arg6: memref<512x10xf32, #tpu.memory_space<vmem>>) attributes {dimension_semantics = [#tpu.dimension_semantics<arbitrary>], iteration_bounds = array<i64: 8>, scalar_prefetch = 0 : i64, scratch_operands = 0 : i64, tpu.core_type = #tpu.core_type<tc>, window_params = [{transform_indices = @transform_0, window_bounds = array<i64: 6656, 128>}, {pipeline_mode = #tpu.pipeline_mode<synchronous>, transform_indices = @transform_1, window_bounds = array<i64: 13, 128, 256>}, {pipeline_mode = #tpu.pipeline_mode<synchronous>, transform_indices = @transform_2, window_bounds = array<i64: 1, 256>}, {pipeline_mode = #tpu.pipeline_mode<synchronous>, transform_indices = @transform_3, window_bounds = array<i64: 256, 10>}, {pipeline_mode = #tpu.pipeline_mode<synchronous>, transform_indices = @transform_4, window_bounds = array<i64: 1, 10>}, {transform_indices = @transform_5, window_bounds = array<i64: 512, 10>}]} {
    %get3A = arith.constant 0 : index
    %get3A_0 = arith.constant 0 : index
    %get3A_1 = vector.load %arg1[%get3A, %get3A_0] : memref<6656x128xf32, #tpu.memory_space<vmem>>, vector<6656x128xf32>
    %reshape3A = vector.shape_cast %get3A_1 : vector<6656x128xf32> to vector<64x13x8x128xf32>
    %slice3A = vector.extract_strided_slice %reshape3A {offsets = [0, 0, 0, 0], sizes = [64, 1, 8, 128], strides = [1, 1, 1, 1]} : vector<64x13x8x128xf32> to vector<64x1x8x128xf32>
    %squeeze3A = vector.shape_cast %slice3A : vector<64x1x8x128xf32> to vector<64x8x128xf32>
    %reshape3A_2 = vector.shape_cast %squeeze3A : vector<64x8x128xf32> to vector<512x128xf32>
    %get3A_3 = arith.constant 0 : index
    %get3A_4 = arith.constant 0 : index
    %get3A_5 = arith.constant 0 : index
    %get3A_6 = vector.load %arg2[%get3A_3, %get3A_4, %get3A_5] : memref<13x128x256xf32, #tpu.memory_space<vmem>>, vector<1x128x256xf32>
    %get3A_7 = vector.shape_cast %get3A_6 : vector<1x128x256xf32> to vector<128x256xf32>
    %dot_general3A = arith.constant dense<0.000000e+00> : vector<512x256xf32>
    %dot_general3A_8 = tpu.matmul %reshape3A_2, %get3A_7, %dot_general3A {dimension_numbers = #tpu.dot_dimension_numbers<[1], [0], [0], [1], [0, 0, 1, 1], [], []>, transpose_lhs_hint = false} : vector<512x128xf32>, vector<128x256xf32>, vector<512x256xf32> -> vector<512x256xf32>
    %slice3A_9 = vector.extract_strided_slice %reshape3A {offsets = [0, 1, 0, 0], sizes = [64, 1, 8, 128], strides = [1, 1, 1, 1]} : vector<64x13x8x128xf32> to vector<64x1x8x128xf32>
    %squeeze3A_10 = vector.shape_cast %slice3A_9 : vector<64x1x8x128xf32> to vector<64x8x128xf32>
    %reshape3A_11 = vector.shape_cast %squeeze3A_10 : vector<64x8x128xf32> to vector<512x128xf32>
    %get3A_12 = arith.constant 1 : index
    %get3A_13 = arith.constant 0 : index
    %get3A_14 = arith.constant 0 : index
    %get3A_15 = vector.load %arg2[%get3A_12, %get3A_13, %get3A_14] : memref<13x128x256xf32, #tpu.memory_space<vmem>>, vector<1x128x256xf32>
    %get3A_16 = vector.shape_cast %get3A_15 : vector<1x128x256xf32> to vector<128x256xf32>
    %dot_general3A_17 = arith.constant dense<0.000000e+00> : vector<512x256xf32>
    %dot_general3A_18 = tpu.matmul %reshape3A_11, %get3A_16, %dot_general3A_17 {dimension_numbers = #tpu.dot_dimension_numbers<[1], [0], [0], [1], [0, 0, 1, 1], [], []>, transpose_lhs_hint = false} : vector<512x128xf32>, vector<128x256xf32>, vector<512x256xf32> -> vector<512x256xf32>
    %add3A = arith.addf %dot_general3A_8, %dot_general3A_18 : vector<512x256xf32>
    %slice3A_19 = vector.extract_strided_slice %reshape3A {offsets = [0, 2, 0, 0], sizes = [64, 1, 8, 128], strides = [1, 1, 1, 1]} : vector<64x13x8x128xf32> to vector<64x1x8x128xf32>
    %squeeze3A_20 = vector.shape_cast %slice3A_19 : vector<64x1x8x128xf32> to vector<64x8x128xf32>
    %reshape3A_21 = vector.shape_cast %squeeze3A_20 : vector<64x8x128xf32> to vector<512x128xf32>
    %get3A_22 = arith.constant 2 : index
    %get3A_23 = arith.constant 0 : index
    %get3A_24 = arith.constant 0 : index
    %get3A_25 = vector.load %arg2[%get3A_22, %get3A_23, %get3A_24] : memref<13x128x256xf32, #tpu.memory_space<vmem>>, vector<1x128x256xf32>
    %get3A_26 = vector.shape_cast %get3A_25 : vector<1x128x256xf32> to vector<128x256xf32>
    %dot_general3A_27 = arith.constant dense<0.000000e+00> : vector<512x256xf32>
    %dot_general3A_28 = tpu.matmul %reshape3A_21, %get3A_26, %dot_general3A_27 {dimension_numbers = #tpu.dot_dimension_numbers<[1], [0], [0], [1], [0, 0, 1, 1], [], []>, transpose_lhs_hint = false} : vector<512x128xf32>, vector<128x256xf32>, vector<512x256xf32> -> vector<512x256xf32>
    %add3A_29 = arith.addf %add3A, %dot_general3A_28 : vector<512x256xf32>
    %slice3A_30 = vector.extract_strided_slice %reshape3A {offsets = [0, 3, 0, 0], sizes = [64, 1, 8, 128], strides = [1, 1, 1, 1]} : vector<64x13x8x128xf32> to vector<64x1x8x128xf32>
    %squeeze3A_31 = vector.shape_cast %slice3A_30 : vector<64x1x8x128xf32> to vector<64x8x128xf32>
    %reshape3A_32 = vector.shape_cast %squeeze3A_31 : vector<64x8x128xf32> to vector<512x128xf32>
    %get3A_33 = arith.constant 3 : index
    %get3A_34 = arith.constant 0 : index
    %get3A_35 = arith.constant 0 : index
    %get3A_36 = vector.load %arg2[%get3A_33, %get3A_34, %get3A_35] : memref<13x128x256xf32, #tpu.memory_space<vmem>>, vector<1x128x256xf32>
    %get3A_37 = vector.shape_cast %get3A_36 : vector<1x128x256xf32> to vector<128x256xf32>
    %dot_general3A_38 = arith.constant dense<0.000000e+00> : vector<512x256xf32>
    %dot_general3A_39 = tpu.matmul %reshape3A_32, %get3A_37, %dot_general3A_38 {dimension_numbers = #tpu.dot_dimension_numbers<[1], [0], [0], [1], [0, 0, 1, 1], [], []>, transpose_lhs_hint = false} : vector<512x128xf32>, vector<128x256xf32>, vector<512x256xf32> -> vector<512x256xf32>
    %add3A_40 = arith.addf %add3A_29, %dot_general3A_39 : vector<512x256xf32>
    %slice3A_41 = vector.extract_strided_slice %reshape3A {offsets = [0, 4, 0, 0], sizes = [64, 1, 8, 128], strides = [1, 1, 1, 1]} : vector<64x13x8x128xf32> to vector<64x1x8x128xf32>
    %squeeze3A_42 = vector.shape_cast %slice3A_41 : vector<64x1x8x128xf32> to vector<64x8x128xf32>
    %reshape3A_43 = vector.shape_cast %squeeze3A_42 : vector<64x8x128xf32> to vector<512x128xf32>
    %get3A_44 = arith.constant 4 : index
    %get3A_45 = arith.constant 0 : index
    %get3A_46 = arith.constant 0 : index
    %get3A_47 = vector.load %arg2[%get3A_44, %get3A_45, %get3A_46] : memref<13x128x256xf32, #tpu.memory_space<vmem>>, vector<1x128x256xf32>
    %get3A_48 = vector.shape_cast %get3A_47 : vector<1x128x256xf32> to vector<128x256xf32>
    %dot_general3A_49 = arith.constant dense<0.000000e+00> : vector<512x256xf32>
    %dot_general3A_50 = tpu.matmul %reshape3A_43, %get3A_48, %dot_general3A_49 {dimension_numbers = #tpu.dot_dimension_numbers<[1], [0], [0], [1], [0, 0, 1, 1], [], []>, transpose_lhs_hint = false} : vector<512x128xf32>, vector<128x256xf32>, vector<512x256xf32> -> vector<512x256xf32>
    %add3A_51 = arith.addf %add3A_40, %dot_general3A_50 : vector<512x256xf32>
    %slice3A_52 = vector.extract_strided_slice %reshape3A {offsets = [0, 5, 0, 0], sizes = [64, 1, 8, 128], strides = [1, 1, 1, 1]} : vector<64x13x8x128xf32> to vector<64x1x8x128xf32>
    %squeeze3A_53 = vector.shape_cast %slice3A_52 : vector<64x1x8x128xf32> to vector<64x8x128xf32>
    %reshape3A_54 = vector.shape_cast %squeeze3A_53 : vector<64x8x128xf32> to vector<512x128xf32>
    %get3A_55 = arith.constant 5 : index
    %get3A_56 = arith.constant 0 : index
    %get3A_57 = arith.constant 0 : index
    %get3A_58 = vector.load %arg2[%get3A_55, %get3A_56, %get3A_57] : memref<13x128x256xf32, #tpu.memory_space<vmem>>, vector<1x128x256xf32>
    %get3A_59 = vector.shape_cast %get3A_58 : vector<1x128x256xf32> to vector<128x256xf32>
    %dot_general3A_60 = arith.constant dense<0.000000e+00> : vector<512x256xf32>
    %dot_general3A_61 = tpu.matmul %reshape3A_54, %get3A_59, %dot_general3A_60 {dimension_numbers = #tpu.dot_dimension_numbers<[1], [0], [0], [1], [0, 0, 1, 1], [], []>, transpose_lhs_hint = false} : vector<512x128xf32>, vector<128x256xf32>, vector<512x256xf32> -> vector<512x256xf32>
    %add3A_62 = arith.addf %add3A_51, %dot_general3A_61 : vector<512x256xf32>
    %slice3A_63 = vector.extract_strided_slice %reshape3A {offsets = [0, 6, 0, 0], sizes = [64, 1, 8, 128], strides = [1, 1, 1, 1]} : vector<64x13x8x128xf32> to vector<64x1x8x128xf32>
    %squeeze3A_64 = vector.shape_cast %slice3A_63 : vector<64x1x8x128xf32> to vector<64x8x128xf32>
    %reshape3A_65 = vector.shape_cast %squeeze3A_64 : vector<64x8x128xf32> to vector<512x128xf32>
    %get3A_66 = arith.constant 6 : index
    %get3A_67 = arith.constant 0 : index
    %get3A_68 = arith.constant 0 : index
    %get3A_69 = vector.load %arg2[%get3A_66, %get3A_67, %get3A_68] : memref<13x128x256xf32, #tpu.memory_space<vmem>>, vector<1x128x256xf32>
    %get3A_70 = vector.shape_cast %get3A_69 : vector<1x128x256xf32> to vector<128x256xf32>
    %dot_general3A_71 = arith.constant dense<0.000000e+00> : vector<512x256xf32>
    %dot_general3A_72 = tpu.matmul %reshape3A_65, %get3A_70, %dot_general3A_71 {dimension_numbers = #tpu.dot_dimension_numbers<[1], [0], [0], [1], [0, 0, 1, 1], [], []>, transpose_lhs_hint = false} : vector<512x128xf32>, vector<128x256xf32>, vector<512x256xf32> -> vector<512x256xf32>
    %add3A_73 = arith.addf %add3A_62, %dot_general3A_72 : vector<512x256xf32>
    %slice3A_74 = vector.extract_strided_slice %reshape3A {offsets = [0, 7, 0, 0], sizes = [64, 1, 8, 128], strides = [1, 1, 1, 1]} : vector<64x13x8x128xf32> to vector<64x1x8x128xf32>
    %squeeze3A_75 = vector.shape_cast %slice3A_74 : vector<64x1x8x128xf32> to vector<64x8x128xf32>
    %reshape3A_76 = vector.shape_cast %squeeze3A_75 : vector<64x8x128xf32> to vector<512x128xf32>
    %get3A_77 = arith.constant 7 : index
    %get3A_78 = arith.constant 0 : index
    %get3A_79 = arith.constant 0 : index
    %get3A_80 = vector.load %arg2[%get3A_77, %get3A_78, %get3A_79] : memref<13x128x256xf32, #tpu.memory_space<vmem>>, vector<1x128x256xf32>
    %get3A_81 = vector.shape_cast %get3A_80 : vector<1x128x256xf32> to vector<128x256xf32>
    %dot_general3A_82 = arith.constant dense<0.000000e+00> : vector<512x256xf32>
    %dot_general3A_83 = tpu.matmul %reshape3A_76, %get3A_81, %dot_general3A_82 {dimension_numbers = #tpu.dot_dimension_numbers<[1], [0], [0], [1], [0, 0, 1, 1], [], []>, transpose_lhs_hint = false} : vector<512x128xf32>, vector<128x256xf32>, vector<512x256xf32> -> vector<512x256xf32>
    %add3A_84 = arith.addf %add3A_73, %dot_general3A_83 : vector<512x256xf32>
    %slice3A_85 = vector.extract_strided_slice %reshape3A {offsets = [0, 8, 0, 0], sizes = [64, 1, 8, 128], strides = [1, 1, 1, 1]} : vector<64x13x8x128xf32> to vector<64x1x8x128xf32>
    %squeeze3A_86 = vector.shape_cast %slice3A_85 : vector<64x1x8x128xf32> to vector<64x8x128xf32>
    %reshape3A_87 = vector.shape_cast %squeeze3A_86 : vector<64x8x128xf32> to vector<512x128xf32>
    %get3A_88 = arith.constant 8 : index
    %get3A_89 = arith.constant 0 : index
    %get3A_90 = arith.constant 0 : index
    %get3A_91 = vector.load %arg2[%get3A_88, %get3A_89, %get3A_90] : memref<13x128x256xf32, #tpu.memory_space<vmem>>, vector<1x128x256xf32>
    %get3A_92 = vector.shape_cast %get3A_91 : vector<1x128x256xf32> to vector<128x256xf32>
    %dot_general3A_93 = arith.constant dense<0.000000e+00> : vector<512x256xf32>
    %dot_general3A_94 = tpu.matmul %reshape3A_87, %get3A_92, %dot_general3A_93 {dimension_numbers = #tpu.dot_dimension_numbers<[1], [0], [0], [1], [0, 0, 1, 1], [], []>, transpose_lhs_hint = false} : vector<512x128xf32>, vector<128x256xf32>, vector<512x256xf32> -> vector<512x256xf32>
    %add3A_95 = arith.addf %add3A_84, %dot_general3A_94 : vector<512x256xf32>
    %slice3A_96 = vector.extract_strided_slice %reshape3A {offsets = [0, 9, 0, 0], sizes = [64, 1, 8, 128], strides = [1, 1, 1, 1]} : vector<64x13x8x128xf32> to vector<64x1x8x128xf32>
    %squeeze3A_97 = vector.shape_cast %slice3A_96 : vector<64x1x8x128xf32> to vector<64x8x128xf32>
    %reshape3A_98 = vector.shape_cast %squeeze3A_97 : vector<64x8x128xf32> to vector<512x128xf32>
    %get3A_99 = arith.constant 9 : index
    %get3A_100 = arith.constant 0 : index
    %get3A_101 = arith.constant 0 : index
    %get3A_102 = vector.load %arg2[%get3A_99, %get3A_100, %get3A_101] : memref<13x128x256xf32, #tpu.memory_space<vmem>>, vector<1x128x256xf32>
    %get3A_103 = vector.shape_cast %get3A_102 : vector<1x128x256xf32> to vector<128x256xf32>
    %dot_general3A_104 = arith.constant dense<0.000000e+00> : vector<512x256xf32>
    %dot_general3A_105 = tpu.matmul %reshape3A_98, %get3A_103, %dot_general3A_104 {dimension_numbers = #tpu.dot_dimension_numbers<[1], [0], [0], [1], [0, 0, 1, 1], [], []>, transpose_lhs_hint = false} : vector<512x128xf32>, vector<128x256xf32>, vector<512x256xf32> -> vector<512x256xf32>
    %add3A_106 = arith.addf %add3A_95, %dot_general3A_105 : vector<512x256xf32>
    %slice3A_107 = vector.extract_strided_slice %reshape3A {offsets = [0, 10, 0, 0], sizes = [64, 1, 8, 128], strides = [1, 1, 1, 1]} : vector<64x13x8x128xf32> to vector<64x1x8x128xf32>
    %squeeze3A_108 = vector.shape_cast %slice3A_107 : vector<64x1x8x128xf32> to vector<64x8x128xf32>
    %reshape3A_109 = vector.shape_cast %squeeze3A_108 : vector<64x8x128xf32> to vector<512x128xf32>
    %get3A_110 = arith.constant 10 : index
    %get3A_111 = arith.constant 0 : index
    %get3A_112 = arith.constant 0 : index
    %get3A_113 = vector.load %arg2[%get3A_110, %get3A_111, %get3A_112] : memref<13x128x256xf32, #tpu.memory_space<vmem>>, vector<1x128x256xf32>
    %get3A_114 = vector.shape_cast %get3A_113 : vector<1x128x256xf32> to vector<128x256xf32>
    %dot_general3A_115 = arith.constant dense<0.000000e+00> : vector<512x256xf32>
    %dot_general3A_116 = tpu.matmul %reshape3A_109, %get3A_114, %dot_general3A_115 {dimension_numbers = #tpu.dot_dimension_numbers<[1], [0], [0], [1], [0, 0, 1, 1], [], []>, transpose_lhs_hint = false} : vector<512x128xf32>, vector<128x256xf32>, vector<512x256xf32> -> vector<512x256xf32>
    %add3A_117 = arith.addf %add3A_106, %dot_general3A_116 : vector<512x256xf32>
    %slice3A_118 = vector.extract_strided_slice %reshape3A {offsets = [0, 11, 0, 0], sizes = [64, 1, 8, 128], strides = [1, 1, 1, 1]} : vector<64x13x8x128xf32> to vector<64x1x8x128xf32>
    %squeeze3A_119 = vector.shape_cast %slice3A_118 : vector<64x1x8x128xf32> to vector<64x8x128xf32>
    %reshape3A_120 = vector.shape_cast %squeeze3A_119 : vector<64x8x128xf32> to vector<512x128xf32>
    %get3A_121 = arith.constant 11 : index
    %get3A_122 = arith.constant 0 : index
    %get3A_123 = arith.constant 0 : index
    %get3A_124 = vector.load %arg2[%get3A_121, %get3A_122, %get3A_123] : memref<13x128x256xf32, #tpu.memory_space<vmem>>, vector<1x128x256xf32>
    %get3A_125 = vector.shape_cast %get3A_124 : vector<1x128x256xf32> to vector<128x256xf32>
    %dot_general3A_126 = arith.constant dense<0.000000e+00> : vector<512x256xf32>
    %dot_general3A_127 = tpu.matmul %reshape3A_120, %get3A_125, %dot_general3A_126 {dimension_numbers = #tpu.dot_dimension_numbers<[1], [0], [0], [1], [0, 0, 1, 1], [], []>, transpose_lhs_hint = false} : vector<512x128xf32>, vector<128x256xf32>, vector<512x256xf32> -> vector<512x256xf32>
    %add3A_128 = arith.addf %add3A_117, %dot_general3A_127 : vector<512x256xf32>
    %slice3A_129 = vector.extract_strided_slice %reshape3A {offsets = [0, 12, 0, 0], sizes = [64, 1, 8, 128], strides = [1, 1, 1, 1]} : vector<64x13x8x128xf32> to vector<64x1x8x128xf32>
    %squeeze3A_130 = vector.shape_cast %slice3A_129 : vector<64x1x8x128xf32> to vector<64x8x128xf32>
    %reshape3A_131 = vector.shape_cast %squeeze3A_130 : vector<64x8x128xf32> to vector<512x128xf32>
    %get3A_132 = arith.constant 12 : index
    %get3A_133 = arith.constant 0 : index
    %get3A_134 = arith.constant 0 : index
    %get3A_135 = vector.load %arg2[%get3A_132, %get3A_133, %get3A_134] : memref<13x128x256xf32, #tpu.memory_space<vmem>>, vector<1x128x256xf32>
    %get3A_136 = vector.shape_cast %get3A_135 : vector<1x128x256xf32> to vector<128x256xf32>
    %dot_general3A_137 = arith.constant dense<0.000000e+00> : vector<512x256xf32>
    %dot_general3A_138 = tpu.matmul %reshape3A_131, %get3A_136, %dot_general3A_137 {dimension_numbers = #tpu.dot_dimension_numbers<[1], [0], [0], [1], [0, 0, 1, 1], [], []>, transpose_lhs_hint = false} : vector<512x128xf32>, vector<128x256xf32>, vector<512x256xf32> -> vector<512x256xf32>
    %add3A_139 = arith.addf %add3A_128, %dot_general3A_138 : vector<512x256xf32>
    %get3A_140 = arith.constant 0 : index
    %get3A_141 = arith.constant 0 : index
    %get3A_142 = vector.load %arg3[%get3A_140, %get3A_141] : memref<1x256xf32, #tpu.memory_space<vmem>>, vector<1x256xf32>
    %add3A_143 = vector.broadcast %get3A_142 : vector<1x256xf32> to vector<512x256xf32>
    %add3A_144 = arith.addf %add3A_139, %add3A_143 : vector<512x256xf32>
    %max3A = arith.constant 0.000000e+00 : f32
    %max3A_145 = vector.broadcast %max3A : f32 to vector<512x256xf32>
    %max3A_146 = arith.maximumf %add3A_144, %max3A_145 : vector<512x256xf32>
    %get3A_147 = arith.constant 0 : index
    %get3A_148 = arith.constant 0 : index
    %get3A_149 = vector.load %arg4[%get3A_147, %get3A_148] : memref<256x10xf32, #tpu.memory_space<vmem>>, vector<256x10xf32>
    %dot_general3A_150 = arith.constant dense<0.000000e+00> : vector<512x10xf32>
    %dot_general3A_151 = tpu.matmul %max3A_146, %get3A_149, %dot_general3A_150 {dimension_numbers = #tpu.dot_dimension_numbers<[1], [0], [0], [1], [0, 0, 1, 1], [], []>, transpose_lhs_hint = false} : vector<512x256xf32>, vector<256x10xf32>, vector<512x10xf32> -> vector<512x10xf32>
    %get3A_152 = arith.constant 0 : index
    %get3A_153 = arith.constant 0 : index
    %get3A_154 = vector.load %arg5[%get3A_152, %get3A_153] : memref<1x10xf32, #tpu.memory_space<vmem>>, vector<1x10xf32>
    %add3A_155 = vector.broadcast %get3A_154 : vector<1x10xf32> to vector<512x10xf32>
    %add3A_156 = arith.addf %dot_general3A_151, %add3A_155 : vector<512x10xf32>
    %reduce_max3A = arith.constant dense<0xFF800000> : vector<512xf32>
    %reduce_max3A_157 = vector.multi_reduction <maximumf>, %add3A_156, %reduce_max3A [1] : vector<512x10xf32> to vector<512xf32>
    %broadcast_in_dim3A = vector.shape_cast %reduce_max3A_157 : vector<512xf32> to vector<512x1xf32>
    %sub3A = vector.broadcast %broadcast_in_dim3A : vector<512x1xf32> to vector<512x10xf32>
    %sub3A_158 = arith.subf %add3A_156, %sub3A : vector<512x10xf32>
    %exp3A = math.exp %sub3A_158 : vector<512x10xf32>
    %reduce_sum3A = arith.constant dense<0.000000e+00> : vector<512xf32>
    %reduce_sum3A_159 = vector.multi_reduction <add>, %exp3A, %reduce_sum3A [1] : vector<512x10xf32> to vector<512xf32>
    %broadcast_in_dim3A_160 = vector.shape_cast %reduce_sum3A_159 : vector<512xf32> to vector<512x1xf32>
    %div3A = vector.broadcast %broadcast_in_dim3A_160 : vector<512x1xf32> to vector<512x10xf32>
    %div3A_161 = arith.divf %exp3A, %div3A : vector<512x10xf32>
    %swap3A = arith.constant 0 : index
    %swap3A_162 = arith.constant 0 : index
    %swap3A_163 = vector.load %arg6[%swap3A, %swap3A_162] : memref<512x10xf32, #tpu.memory_space<vmem>>, vector<512x10xf32>
    tpu.vector_store %arg6[%swap3A, %swap3A_162], %div3A_161 {strides = array<i32>} : memref<512x10xf32, #tpu.memory_space<vmem>>, vector<512x10xf32>,
    return
  }
  func.func @transform_0(%arg0: i32) -> (i32, i32) {
    %c0_i32 = arith.constant 0 : i32
    %c0_i32_0 = arith.constant 0 : i32
    return %arg0, %c0_i32 : i32, i32
  }
  func.func @transform_1(%arg0: i32) -> (i32, i32, i32) {
    %c0_i32 = arith.constant 0 : i32
    %c0_i32_0 = arith.constant 0 : i32
    %c0_i32_1 = arith.constant 0 : i32
    %c0_i32_2 = arith.constant 0 : i32
    return %c0_i32, %c0_i32_0, %c0_i32_1 : i32, i32, i32
  }
  func.func @transform_2(%arg0: i32) -> (i32, i32) {
    %c0_i32 = arith.constant 0 : i32
    %c0_i32_0 = arith.constant 0 : i32
    %c0_i32_1 = arith.constant 0 : i32
    return %c0_i32, %c0_i32_0 : i32, i32
  }
  func.func @transform_3(%arg0: i32) -> (i32, i32) {
    %c0_i32 = arith.constant 0 : i32
    %c0_i32_0 = arith.constant 0 : i32
    %c0_i32_1 = arith.constant 0 : i32
    return %c0_i32, %c0_i32_0 : i32, i32
  }
  func.func @transform_4(%arg0: i32) -> (i32, i32) {
    %c0_i32 = arith.constant 0 : i32
    %c0_i32_0 = arith.constant 0 : i32
    %c0_i32_1 = arith.constant 0 : i32
    return %c0_i32, %c0_i32_0 : i32, i32
  }
  func.func @transform_5(%arg0: i32) -> (i32, i32) {
    %c0_i32 = arith.constant 0 : i32
    %c0_i32_0 = arith.constant 0 : i32
    return %arg0, %c0_i32 : i32, i32
  }
}

</mosaic_0001>

<sc_bundles>
// kernel: kernel.4.cloned.1.call-start
scs
__scs_entry_jumppad:
0x0: {  	(pc) =	sbr.rel $0x88, $3  }
0x1: {  	(tag) =	ssettag $0x0;
	lr =	simm.s32 $0x1  }
0x2: {  	[smem:$0x3F9B] =	sst lr;
	_ =	strace $0xD0000000  }
0x3: {  	_ = 	snop  }
0x4: {  	_ = 	snop  }
0x5: {  	_ = 	snop  }
0x6: {  	_ = 	snop  }
0x7: {  	_ = 	snop  }
__scs_overlays_trampoline_lowered:
0x8: {  	[smem:$0x3FAA] =	sst s0  }
0x9: {  	[smem:$0x3FAB] =	sst s1  }
0xa: {  	[smem:$0x3FAC] =	sst s2  }
0xb: {  	[smem:$0x3FAD] =	sst s3  }
0xc: {  	[smem:$0x3FAE] =	sst s4  }
0xd: {  	[smem:$0x3FAF] =	sst s5  }
0xe: {  	[smem:$0x3FB0] =	sst s6  }
0xf: {  	[smem:$0x3FB1] =	sst s7  }
0x10: {  	[smem:$0x3FB2] =	sst s8  }
0x11: {  	[smem:$0x3FB3] =	sst s9;
	s0 =	simm.s32 @!p0 $0x0  }
0x12: {  	s1 =	sld [smem:$0x3F99];
	s0 =	simm.s32 @p0 $0x1  }
0x13: {  	[smem:$0x3FB4] =	sst s0;
	s0 =	simm.s32 @!p1 $0x0  }
0x14: {  	s2 =	sld [smem:$0x3F98];
	s0 =	simm.s32 @p1 $0x1  }
0x15: {  	[smem:$0x3FB5] =	sst s0;
	s0 =	simm.s32 @!p2 $0x0  }
0x16: {  	s3 =	sld [smem:$0x3FDB];
	s0 =	simm.s32 @p2 $0x1  }
0x17: {  	s4 =	simm.s32 $0x1BF5;
	[smem:$0x3FB7] =	sst s0  }
0x18: {  	s0 =	sld [smem:$0x3F9A];
	_ =	swait.ge [sflag:s4], $0x0  }
0x19: {  	s7 =	sld [smem:$0x3F9B]  }
0x1a: {  	s8 =	sadd.s32 $0xFFFFE003, lr  }
0x1b: {  	s9 =	sadd.s32 $0xFFFFFEF7, lr;
	s5 =	simm.s32 $0xFFFFFFFF;
	p2 =	slt.u32 s8, $0xFFFFF086  }
0x1c: {  	p1 =	slt.u32 s9, $0xF7A;
	s5 =	simm.s32 @!p2 $0x0  }
0x1d: {  	s5 =	simm.s32 @p1 $0x1;
	p0 =	seq.s32 s7, s2  }
0x1e: {  	s7 =	smul.u32 @!p0 $0xF7A, s2;
	p2 =	seq.s32 @!p0 s5, $0x0  }
0x1f: {  	s9 =	smul.u32 $0xF7A, s1;
	s8 =	simm.s32 @!p0 $0x1BF5;
	p2 =	por !p2, p0  }
0x20: {  	[sflag:s8] =	ssyncset.s32 @!p0 $0xFFFFF086;
	s6 =	sadd.s32 @!p0 s3, s7;
	s7 =	simm.s32 @!p0 $0x108  }
0x21: {  	s3 =	sadd.s32 s3, s9;
	s6 =	sadd.s32 @!p0 $0x88, s6;
	s7 =	simm.s32 @p2 $0x1082  }
0x22: {  	[simem:s7], [sflag:s8] =	dma.local @!p0 [hbm:s6], $0xF7A  }
0x23: {  	s9 =	sor.u32 $0xD0000000, s2;
	s6 =	simm.s32 $0x108;
	_ =	swait.ge @!p0 [sflag:s8], $0x0  }
0x24: {  	s3 =	sadd.s32 $0x88, s3;
	s6 =	simm.s32 @!p1 $0x1082;
	[sflag:s4] =	ssyncset.s32 $0xFFFFF086  }
0x25: {  	[simem:s6], [sflag:s4] =	dma.local [hbm:s3], $0xF7A  }
0x26: {  	[smem:$0x3F9B] =	sst s1;
	(tag) =	ssettag s2;
	_ =	strace s9  }
0x27: {  	s1 =	sld [smem:$0x3FAB]  }
0x28: {  	s2 =	sld [smem:$0x3FAC]  }
0x29: {  	s4 =	sld [smem:$0x3FAE]  }
0x2a: {  	p0 =	seq.s32 s5, $0x0;
	s5 =	sld [smem:$0x3FAF]  }
0x2b: {  	s6 =	sld [smem:$0x3FB0]  }
0x2c: {  	s7 =	sld [smem:$0x3FB1]  }
0x2d: {  	s3 =	simm.s32 $0x108;
	s8 =	sld [smem:$0x3FB2]  }
0x2e: {  	s3 =	simm.s32 @!p0 $0x1082;
	s9 =	sld [smem:$0x3FB3]  }
0x2f: {  	lr =	sadd.s32 s0, s3;
	s0 =	sld [smem:$0x3FAA]  }
0x30: {  	s3 =	sld [smem:$0x3FAD]  }
0x31: {  	[smem:$0x3FB6] =	sst s10  }
0x32: {  	s10 =	sld [smem:$0x3FB4];
	_ =	sdelay $0x3  }
0x33: {  	p0 =	seq.s32 s10, $0x1;
	s10 =	sld [smem:$0x3FB6];
	_ =	sdelay $0x3  }
0x34: {  	[smem:$0x3FB6] =	sst s10  }
0x35: {  	s10 =	sld [smem:$0x3FB5];
	_ =	sdelay $0x3  }
0x36: {  	p1 =	seq.s32 s10, $0x1;
	s10 =	sld [smem:$0x3FB6];
	_ =	sdelay $0x3  }
0x37: {  	[smem:$0x3FB6] =	sst s10  }
0x38: {  	s10 =	sld [smem:$0x3FB7]  }
0x39: {  	_ = 	snop;
	(pc) =	sbr.ind lr, $3  }
0x3a: {  	_ = 	snop  }
0x3b: {  	_ = 	snop  }
0x3c: {  	p2 =	seq.s32 s10, $0x1;
	s10 =	sld [smem:$0x3FB6]  }
0x3d: {  	_ =	shalt  }
0x3e: {  	_ =	shalt  }
0x3f: {  	_ =	shalt  }
0x40: {  	_ =	shalt  }
0x41: {  	_ =	shalt  }
0x42: {  	_ =	shalt  }
0x43: {  	_ =	shalt  }
0x44: {  	_ =	shalt  }
0x45: {  	_ =	shalt  }
0x46: {  	_ =	shalt  }
0x47: {  	_ =	shalt  }
0x48: {  	_ =	shalt  }
0x49: {  	_ =	shalt  }
0x4a: {  	_ =	shalt  }
0x4b: {  	_ =	shalt  }
0x4c: {  	_ =	shalt  }
0x4d: {  	_ =	shalt  }
0x4e: {  	_ =	shalt  }
0x4f: {  	_ =	shalt  }
0x50: {  	_ =	shalt  }
0x51: {  	_ =	shalt  }
0x52: {  	_ =	shalt  }
0x53: {  	_ =	shalt  }
0x54: {  	_ =	shalt  }
0x55: {  	_ =	shalt  }
0x56: {  	_ =	shalt  }
0x57: {  	_ =	shalt  }
0x58: {  	_ =	shalt  }
0x59: {  	_ =	shalt  }
0x5a: {  	_ =	shalt  }
0x5b: {  	_ =	shalt  }
0x5c: {  	_ =	shalt  }
0x5d: {  	_ =	shalt  }
0x5e: {  	_ =	shalt  }
0x5f: {  	_ =	shalt  }
0x60: {  	_ =	shalt  }
0x61: {  	_ =	shalt  }
0x62: {  	_ =	shalt  }
0x63: {  	_ =	shalt  }
0x64: {  	_ =	shalt  }
0x65: {  	_ =	shalt  }
0x66: {  	_ =	shalt  }
0x67: {  	_ =	shalt  }
0x68: {  	_ =	shalt  }
0x69: {  	_ =	shalt  }
0x6a: {  	_ =	shalt  }
0x6b: {  	_ =	shalt  }
0x6c: {  	_ =	shalt  }
0x6d: {  	_ =	shalt  }
0x6e: {  	_ =	shalt  }
0x6f: {  	_ =	shalt  }
0x70: {  	_ =	shalt  }
0x71: {  	_ =	shalt  }
0x72: {  	_ =	shalt  }
0x73: {  	_ =	shalt  }
0x74: {  	_ =	shalt  }
0x75: {  	_ =	shalt  }
0x76: {  	_ =	shalt  }
0x77: {  	_ =	shalt  }
0x78: {  	_ =	shalt  }
0x79: {  	_ =	shalt  }
0x7a: {  	_ =	shalt  }
0x7b: {  	_ =	shalt  }
0x7c: {  	_ =	shalt  }
0x7d: {  	_ =	shalt  }
0x7e: {  	_ =	shalt  }
0x7f: {  	_ =	shalt  }
0x80: {  	_ =	shalt  }
0x81: {  	_ =	shalt  }
0x82: {  	_ =	shalt  }
0x83: {  	_ =	shalt  }
0x84: {  	_ =	shalt  }
0x85: {  	_ =	shalt  }
0x86: {  	_ =	shalt  }
0x87: {  	_ =	shalt  }
.Lfunc_end0:
.L_simem_size_0:
called_computation_lowered:
.L_overlay_start_0:
0x88: {  	s2 =	sld [smem:$0x3FD9]  }
0x89: {  	s3 =	sld [smem:$0x3FFE];
	_ =	sdelay $0x1  }
0x8a: {  	s1 =	srdreg.scid  }
0x8b: {  	s0 =	sand.u32 $0x1, s1  }
0x8c: {  	s17 =	sshll.u32 s0, $0xA;
	s2 =	sadd.s32 s3, s2  }
0x8d: {  	s2 =	sadd.s32 s2, s17  }
0x8e: {  	[smem:$0x3FC2] =	sst s2  }
0x8f: {  	_ = 	snop  }
0x90: {  	s2 =	sld [smem:$0x3FD0];
	(tm) =	ssettm $0x1  }
0x91: {  	s18 =	sld [smem:$0x3FFB];
	_ =	sdelay $0x3  }
0x92: {  	_ =	strace s18  }
0x93: {  	s3 =	sld [smem:$0x3FFC];
	_ =	sdelay $0x3  }
0x94: {  	_ =	strace s3  }
0x95: {  	s3 =	sld [smem:$0x3FFD];
	_ =	sdelay $0x3  }
0x96: {  	_ =	strace s3  }
0x97: {  	_ =	strace $0x8FFFFFFF  }
0x98: {  	s19 =	sld [smem:$0x3FDB];
	_ =	sdelay $0x1  }
0x99: {  	s4 =	simm.s32 $_scs_section_size  }
0x9a: {  	s5 =	simm.s32 $_size__tile_overlayer_lowered;
	s6 =	simm.s32 $_tile_overlayer_lowered  }
0x9b: {  	s22 =	simm.s32 $0x1BFF;
	s21 =	sshll.u32 s6, $0x1;
	s3 =	sadd.s32 s4, s19  }
0x9c: {  	s7 =	simm.s32 $0x0;
	s20 =	sshll.u32 s5, $0x1;
	s5 =	sadd.s32 s21, s3  }
0x9d: {  	[timem:s7], [sflag:s22] =	dma.local [hbm:s5], s20  }
0x9e: {  	_ =	swait.ge [sflag:s22], s20  }
0x9f: {  	s4 =	ssub.s32 $0x0, s20;
	[sflag:s22] =	ssyncset.done $0x0  }
0xa0: {  	[sflag:s22] =	ssyncadd.s32 s4;
	_ =	sdelay $0x1  }
0xa1: {  	s23 =	simm.s32 $0x1B8B  }
0xa2: {  	_ =	swait.ge [sflag:s23], $0x1  }
0xa3: {  	[sflag:s23] =	ssyncset.done $0x0  }
0xa4: {  	s25 =	simm.s32 $0x1B8E;
	s24 =	sld [smem:$0x3FFE];
	[sflag:s23] =	ssyncadd.s32 $0xFFFFFFFF  }
0xa5: {  	s26 =	simm.s32 $execute0_lowered;
	[smem:$0x3FD2] =	sst s25  }
0xa6: {  	s5 =	sshll.u32 s26, $0x1;
	_ =	strace $0x80000046;
	[dreg:$0x1] =	wrdreg $0xFFFFFFFF  }
0xa7: {  	s28 =	simm.s32 $_size_execute0_lowered;
	s3 =	sadd.s32 s3, s5;
	[dreg:$0x0] =	wrdreg $0x0  }
0xa8: {  	s5 =	sshll.u32 s28, $0x1;
	[dreg:$0x2] =	wrdreg s3  }
0xa9: {  	[dreg:$0x3] =	wrdreg s5  }
0xaa: {  	[dreg:$0x4] =	wrdreg $0xC0  }
0xab: {  	_ =	task [dreg:s7], $0x5FFFF  }
0xac: {  	[dreg:$0x1] =	wrdreg $0xFFFFFFFF  }
0xad: {  	[dreg:$0x0] =	wrdreg $0x60  }
0xae: {  	[dreg:$0x2] =	wrdreg s2  }
0xaf: {  	[dreg:$0x3] =	wrdreg s24  }
0xb0: {  	[dreg:$0x4] =	wrdreg $0x9  }
0xb1: {  	_ =	task.clear_ibuf [dreg:s7], $0x5FFFF;
	_ =	strace $0x90000046  }
0xb2: {  	s29 =	simm.s32 $0x9;
	_ =	strace $0x80000048  }
0xb3: {  	_ =	swait.ge [sflag:s29], $0x1  }
0xb4: {  	[sflag:s29] =	ssyncadd.s32 $0xFFFFFFFF  }
0xb5: {  	_ =	strace $0x90000048  }
0xb6: {  	_ =	sfence  }
0xb7: {  	s30 =	sld [smem:$0x0];
	_ =	sdelay $0x2  }
0xb8: {  	s31 =	sshll.u32 s1, $0xD;
	s1 =	sshrl.u32 s1, $0x2  }
0xb9: {  	s3 =	sand.u32 $0x4000, s31;
	s1 =	sadd.s32 s1, s30  }
0xba: {  	s0 =	sor.u32 s3, s0;
	s1 =	sshll.u32 s1, $0x11  }
0xbb: {  	s0 =	sor.u32 s1, s0  }
0xbc: {  	s0 =	sadd.s32 $0x8F2B, s0  }
0xbd: {  	[sflag:s0] =	ssyncadd.remote.s32 $0x1  }
0xbe: {  	_ =	sfence.sel $0xFFFF  }
0xbf: {  	[dreg:$0x0] =	wrdreg $0xFFFFFFFF;
	(pc) =	sbr.abs _section_cstart, $3  }
0xc0: {  	[dreg:$0x1] =	wrdreg $0xFFFFFFFF  }
0xc1: {  	_ =	task.clear_ibuf [dreg:s7], $0x2FFFF;
	_ =	strace $0x9FFFFFFF  }
0xc2: {  	(tm) =	ssettm $0x7FFFFFFF  }
0xc3: {  	_ =	shalt  }
tec
execute0_lowered:
.L_overlay_start_1:
0x0: {  	(tag) =	ssettag $0x1  }
0x1: {  	s2 =	rddreg [dreg:$0x0];
	s1 =	srdreg.scid  }
0x2: {  	s0 =	stileid.u32;
	s4 =	rddreg [dreg:$0x1]  }
0x3: {  	s3 =	simm.s32 $0x0;
	s11 =	simm.s32 $0x680;
	s12 =	simm.s32 $0x1A00  }
0x4: {  	s13 =	simm.s32 $0x3400;
	s14 =	simm.s32 $0x1;
	s15 =	simm.s32 $0x2080  }
0x5: {  	s16 =	simm.s32 $0x10400;
	s17 =	simm.s32 $0x2;
	s18 =	simm.s32 $0x3  }
0x6: {  	s19 =	simm.s32 $0x2700;
	s5 =	sand.u32 $0x1, s1;
	s6 =	sshll.u32 s0, $0x1  }
0x7: {  	s20 =	simm.s32 $0x4;
	s21 =	simm.s32 $0x2D80;
	s6 =	sor.u32 s5, s6  }
0x8: {  	s22 =	simm.s32 $0x0;
	s1 =	rddreg [dreg:$0x2];
	s7 =	smul.u32 $0x340, s6  }
0x9: {  	[smem:$0x7FF] =	sst s3;
	s31 =	ssub.s32 $0x2, s5;
	s8 =	smul.u32 $0x34000, s6  }
0xa: {  	s9 =	sadd.s32 $0x7600, s4;
	s5 =	sshrl.u32 s31, $0x1;
	s6 =	smul.u32 $0x6800, s6  }
0xb: {  	_ =	strace $0x80000047;
	s10 =	ssub.s32 s31, s5;
	s7 =	sadd.s32 s7, s4  }
0xc: {  	s8 =	sshrl.u32 s8, $0x3;
	s5 =	sadd.s32 s9, s6;
	s4 =	sadd.s32 $0xE00, s7  }
0xd: {  	v0 =	vlaneseq.u32;
	s8 =	sadd.s32 s9, s8;
	s9 =	smax.u32 s10, $0x1;
	s10 =	simm.s32 $0x5  }
0xe: {  	v1 =	vand.u32 $0x3, v0;
	s6 =	sadd.s32 $0x1A00, s8;
	s7 =	sadd.s32 $0x3400, s8;
	s8 =	sadd.s32 $0x4E00, s8  }
.LBB2_1:
0xf: {  	s23 =	smul.u32 $0x4EC5, s3;
	_ =	sdelay $0x1  }
0x10: {  	s23 =	sshrl.u32 s23, $0x13  }
0x11: {  	s23 =	smul.u32 $0x1A0, s23  }
0x12: {  	v2 =	vor.u32 s3, v0  }
0x13: {  	s24 =	simm.s32 $0x1;
	v2 =	vshrl.u32 v2, $0x2;
	s23 =	sand.u32 $0xFFE0, s23  }
0x14: {  	s24 =	smul.u32 $0x4EC5, s24;
	v2 =	vand.u32 $0x7, v2;
	v3 =	vmov s23  }
0x15: {  	v2 =	vmul.u32 $0x34, v2;
	v3 =	vsub.s32 s3, v3  }
0x16: {  	s24 =	sshrl.u32 s24, $0x13;
	v3 =	vshra.s32 v3, $0x3  }
0x17: {  	s26 =	simm.s32 $0x10;
	s24 =	smul.u32 $0x1A0, s24;
	v2 =	vadd.s32 s23, v2;
	v3 =	vand.u32 $0xFFFFFFFC, v3  }
0x18: {  	[tilespmem:s3], [sflag:$0x5] =	stream.linear.gather [hbm4b:s4+s3], $0x1A00, $0x38;
	v4 =	vor.u32 s26, v0;
	v2 =	vadd.s32 v2, v3;
	[tilespmem:$0x1D400] =	vst v63  }
0x19: {  	s25 =	simm.s32 $0x2;
	s24 =	sand.u32 $0xFFE0, s24;
	v3 =	vshrl.u32 v4, $0x2;
	v2 =	vor.u32 v1, v2  }
0x1a: {  	s29 =	smul.u32 $0x4EC5, s25;
	v4 =	vmov s24;
	v3 =	vand.u32 $0x7, v3  }
0x1b: {  	_ =	swait.ge [sflag:s10], $0x1A00;
	v4 =	vsub.s32 s26, v4;
	v3 =	vmul.u32 $0x34, v3  }
0x1c: {  	[sflag:s10] =	ssyncset.done $0x0;
	s23 =	sshrl.u32 s29, $0x13;
	v4 =	vshra.s32 v4, $0x3  }
0x1d: {  	[sflag:s10] =	ssyncadd.s32 $0xFFFFE600;
	s30 =	smul.u32 $0x1A0, s23;
	s23 =	simm.s32 $0x20;
	v4 =	vand.u32 $0xFFFFFFFC, v4;
	v3 =	vadd.s32 s24, v3  }
0x1e: {  	v5 =	vor.u32 s23, v0;
	v4 =	vadd.s32 v3, v4;
	v3 =	vld.idx.msk [tilespmem:v2+s3+$0x0], $0xffff  }
0x1f: {  	s25 =	sand.u32 $0xFFE0, s30;
	v5 =	vshrl.u32 v5, $0x2;
	v2 =	vor.u32 v1, v4  }
0x20: {  	s31 =	simm.s32 $0x3;
	v6 =	vmov s25;
	v7 =	vand.u32 $0x7, v5  }
0x21: {  	s28 =	smul.u32 $0x4EC5, s31;
	s26 =	simm.s32 $0x4;
	v5 =	vsub.s32 s23, v6;
	s24 =	simm.s32 $0x1A00;
	v4 =	vmul.u32 $0x34, v7  }
.LBB2_2:
0x22: {  	_ = 	snop  }
0x23: {  	p0 =	sne.s32 s26, $0x19F;
	v5 =	vshra.s32 v5, $0x3;
	[tilespmem:s24+$0x0] =	vst v3;
	s28 =	sshrl.u32 s28, $0x13  }
0x24: {  	v5 =	vand.u32 $0xFFFFFFFC, v5;
	v4 =	vadd.s32 s25, v4;
	v3 =	vld.idx.msk [tilespmem:v2+s3+$0x0], $0xffff;
	s25 =	smul.u32 $0x1A0, s28  }
.Ltmp0:
0x25: {  	s23 =	sadd.s32 $0x10, s23;
	v2 =	vadd.s32 v4, v5;
	(pc) =	sbr.rel @p0 .LBB2_2-.Ltmp0, $4  }
0x26: {  	v4 =	vor.u32 s23, v0;
	v2 =	vor.u32 v1, v2  }
0x27: {  	v4 =	vshrl.u32 v4, $0x2;
	s25 =	sand.u32 $0xFFE0, s25  }
0x28: {  	v4 =	vand.u32 $0x7, v4;
	v5 =	vmov s25  }
0x29: {  	s24 =	sadd.s32 $0x10, s24;
	s28 =	smul.u32 $0x4EC5, s26;
	s26 =	sadd.s32 $0x1, s26;
	v4 =	vmul.u32 $0x34, v4;
	v5 =	vsub.s32 s23, v5  }
0x2a: {  	_ =	sdelay $0x1  }
0x2b: {  	v5 =	vshra.s32 v5, $0x3;
	s26 =	sshrl.u32 s28, $0x13  }
0x2c: {  	[tilespmem:s24+$0x0] =	vst v3;
	s23 =	sadd.s32 $0x10, s23;
	v3 =	vand.u32 $0xFFFFFFFC, v5;
	v4 =	vadd.s32 s25, v4;
	s30 =	smul.u32 $0x1A0, s26  }
0x2d: {  	v2 =	vld.idx.msk [tilespmem:v2+s3+$0x0], $0xffff;
	v62 =	vor.u32 s23, v0;
	v3 =	vadd.s32 v4, v3  }
0x2e: {  	v4 =	vshrl.u32 v62, $0x2;
	v3 =	vor.u32 v1, v3;
	s25 =	sand.u32 $0xFFE0, s30  }
0x2f: {  	v4 =	vand.u32 $0x7, v4;
	v63 =	vmov s25  }
0x30: {  	v4 =	vmul.u32 $0x34, v4;
	v5 =	vsub.s32 s23, v63  }
0x31: {  	s31 =	sadd.s32 $0x10, s24;
	v5 =	vshra.s32 v5, $0x3  }
0x32: {  	[tilespmem:s31+$0x0] =	vst v2;
	v4 =	vadd.s32 s25, v4;
	v2 =	vand.u32 $0xFFFFFFFC, v5  }
0x33: {  	v3 =	vld.idx.msk [tilespmem:v3+s3+$0x0], $0xffff;
	v2 =	vadd.s32 v4, v2  }
0x34: {  	v2 =	vor.u32 v1, v2;
	_ =	sdelay $0x2  }
0x35: {  	s23 =	sadd.s32 $0x10, s31  }
0x36: {  	[tilespmem:s23+$0x0] =	vst v3  }
0x37: {  	v2 =	vld.idx.msk [tilespmem:v2+s3+$0x0], $0xffff;
	_ =	sdelay $0x3  }
0x38: {  	s23 =	sadd.s32 $0x10, s23  }
0x39: {  	[tilespmem:s23+$0x0] =	vst v2  }
0x3a: {  	[tilespmem:s13], [sflag:$0x1] =	stream.indirect.gather [hbm4b:s2+s11], $0x20, s12, s11, $0xb8;
	[tilespmem:$0x1D400] =	vst v63  }
0x3b: {  	_ =	swait.ge [sflag:s14], $0xD000  }
0x3c: {  	[sflag:s14] =	ssyncset.done $0x0  }
0x3d: {  	[sflag:s14] =	ssyncadd.s32 $0xFFFF3000  }
0x3e: {  	[hbm4b:s5+s3] =	stream.linear.scatter [tilespmem:s13], [sflag:$0x3], $0xD000, $0x38;
	[tilespmem:$0x1D400] =	vst v63  }
0x3f: {  	_ = 	snop  }
0x40: {  	[tilespmem:s16], [sflag:$0x2] =	stream.indirect.gather [hbm4b:s2+s11], $0x20, s15, s11, $0xb8;
	[tilespmem:$0x1D400] =	vst v63  }
0x41: {  	_ =	swait.ge [sflag:s17], $0xD000  }
0x42: {  	[sflag:s17] =	ssyncset.done $0x0  }
0x43: {  	[sflag:s17] =	ssyncadd.s32 $0xFFFF3000  }
0x44: {  	[hbm4b:s6+s3] =	stream.linear.scatter [tilespmem:s16], [sflag:$0x4], $0xD000, $0x38;
	[tilespmem:$0x1D400] =	vst v63  }
0x45: {  	_ =	swait.ge [sflag:s18], $0xD000  }
0x46: {  	[sflag:s18] =	ssyncset.done $0x0  }
0x47: {  	[sflag:s18] =	ssyncadd.s32 $0xFFFF3000  }
0x48: {  	[tilespmem:s13], [sflag:$0x1] =	stream.indirect.gather [hbm4b:s2+s11], $0x20, s19, s11, $0xb8;
	[tilespmem:$0x1D400] =	vst v63  }
0x49: {  	_ =	swait.ge [sflag:s14], $0xD000  }
0x4a: {  	[sflag:s14] =	ssyncset.done $0x0  }
0x4b: {  	[sflag:s14] =	ssyncadd.s32 $0xFFFF3000  }
0x4c: {  	[hbm4b:s7+s3] =	stream.linear.scatter [tilespmem:s13], [sflag:$0x3], $0xD000, $0x38;
	[tilespmem:$0x1D400] =	vst v63  }
0x4d: {  	_ =	swait.ge [sflag:s20], $0xD000  }
0x4e: {  	[sflag:s20] =	ssyncset.done $0x0  }
0x4f: {  	[sflag:s20] =	ssyncadd.s32 $0xFFFF3000  }
0x50: {  	[tilespmem:s16], [sflag:$0x2] =	stream.indirect.gather [hbm4b:s2+s11], $0x20, s21, s11, $0xb8;
	[tilespmem:$0x1D400] =	vst v63  }
0x51: {  	_ =	swait.ge [sflag:s17], $0xD000  }
0x52: {  	[sflag:s17] =	ssyncset.done $0x0  }
0x53: {  	s22 =	sadd.s32 $0x1, s22;
	[sflag:s17] =	ssyncadd.s32 $0xFFFF3000  }
0x54: {  	[hbm4b:s8+s3] =	stream.linear.scatter [tilespmem:s16], [sflag:$0x4], $0xD000, $0x38;
	[tilespmem:$0x1D400] =	vst v63  }
0x55: {  	p0 =	sne.s32 s22, s9;
	_ =	swait.ge [sflag:s18], $0xD000  }
.Ltmp1:
0x56: {  	[sflag:s18] =	ssyncset.done $0x0;
	(pc) =	sbr.rel @p0 .LBB2_1-.Ltmp1, $4  }
0x57: {  	[sflag:s18] =	ssyncadd.s32 $0xFFFF3000  }
0x58: {  	_ =	swait.ge [sflag:s20], $0xD000  }
0x59: {  	[sflag:s20] =	ssyncset.done $0x0  }
0x5a: {  	[sflag:s20] =	ssyncadd.s32 $0xFFFF3000  }
0x5b: {  	_ =	sfence.sel $0x180000  }
0x5c: {  	[bflag:$0x0] =	sbarrier.arrive $0xFFFF  }
0x5d: {  	p0 =	sne.s32 s0, $0x0;
	_ =	strace $0x90000047  }
0x5e: {  	s0 =	sadd.s32 @!p0 $0x100000, s1;
	[bflag:$0x2] =	sbarrier.arrive $0xFFFF  }
0x5f: {  	[sflag:s0] =	ssyncadd.tile.s32 @!p0 $0x1;
	_ =	shalt  }
.Lfunc_end2:
_tile_overlayer_lowered:
.L_overlay_start_2:
0x60: {  	(tag) =	ssettag $0x2  }
0x61: {  	s0 =	rddreg [dreg:$0x0];
	s2 =	stileid.u32  }
0x62: {  	s1 =	rddreg [dreg:$0x1];
	p0 =	sne.s32 s2, $0x0  }
0x63: {  	s3 =	rddreg [dreg:$0x2];
	[bflag:$0x3] =	sbarrier.arrive $0xFFFF;
	s2 =	simm.s32 @!p0 $0x1C05  }
0x64: {  	[timem:s3], [sflag:s2] =	dma.local @!p0 [hbm:s0], s1  }
0x65: {  	s0 =	simm.s32 @!p0 $0x5  }
0x66: {  	_ =	swait.ge @!p0 [sflag:s0], s1  }
0x67: {  	s1 =	ssub.s32 @!p0 $0x0, s1;
	[sflag:s0] =	ssyncset.done @!p0 $0x0  }
0x68: {  	[sflag:s0] =	ssyncadd.s32 @!p0 s1  }
0x69: {  	[bflag:$0x3] =	sbarrier.arrive $0xFFFF  }
0x6a: {  	_ =	shalt  }

</sc_bundles>
